<compile_context>
chip_gen: v7x
topology: tpu7x:2x2x1
jax: 0.10.2.dev20260603
libtpu: 0.0.44.dev20260713+nightly
codegen_flags: <defaults>
</compile_context>

<pallas_src>
import functools

import jax
import jax.numpy as jnp
from jax import lax
from jax.experimental import pallas as pl
from jax.experimental.pallas import tpu as pltpu
from jax.experimental.pallas import tpu_sc as plsc

_NC = 2
_NS = 16
_NW = _NC * _NS
_L = 16
_T = 128
_PASSES = 2


def _sc_call(n):
    n_pad = -(-n // _T) * _T
    n_full = (n // _T) * _T
    tail_len = n - n_full
    q = _T * _PASSES
    chunk = (-(-(n_pad // _T) // _NW) * _T + q - 1) // q * q
    sub = chunk // _PASSES
    last_base = (_NW - 1) * chunk
    assert last_base + sub <= n_full, "pass-0 of last worker must be tail-free"
    assert last_base + chunk >= n_pad
    assert all(w * chunk + chunk <= n_full for w in range(_NW - 1))
    p1_base = last_base + sub
    p1_main = n_full - p1_base
    p1_out = n_pad - p1_base
    p1_z = n - p1_base
    assert 0 <= p1_main and 0 < p1_out <= sub and p1_main % _T == 0

    mesh = plsc.VectorSubcoreMesh(core_axis_name="c", subcore_axis_name="s")

    @functools.partial(
        pl.kernel,
        out_type=jax.ShapeDtypeStruct((2, n_pad), jnp.float32),
        mesh=mesh,
        compiler_params=pltpu.CompilerParams(needs_layout_passes=False),
        scratch_types=[
            pltpu.VMEM((32,), jnp.float32),
            pltpu.VMEM((3, sub), jnp.float32),
            pltpu.VMEM((3, sub), jnp.float32),
            pltpu.VMEM((sub,), jnp.int32),
            pltpu.VMEM((sub,), jnp.int32),
            pltpu.VMEM((sub,), jnp.int32),
            pltpu.VMEM((sub,), jnp.int32),
            pltpu.VMEM((sub,), jnp.int32),
            pltpu.VMEM((sub,), jnp.int32),
            pltpu.VMEM((2, sub), jnp.float32),
            pltpu.SemaphoreType.DMA,
            pltpu.SemaphoreType.DMA,
        ],
    )
    def sc_kernel(alpha_h, p_h, ptail_h, z1_h, z2_h, z3_h, out_h,
                  a_v, pa_v, pb_v, z1a_v, z2a_v, z3a_v,
                  z1b_v, z2b_v, z3b_v, o_v, sem0, sem1):
        wid = lax.axis_index("s") * _NC + lax.axis_index("c")
        base = wid * chunk
        is_last = wid == (_NW - 1)

        d0 = [
            pltpu.make_async_copy(p_h.at[:, pl.ds(base, sub)], pa_v, sem0),
            pltpu.make_async_copy(z1_h.at[pl.ds(base, sub)], z1a_v, sem0),
            pltpu.make_async_copy(z2_h.at[pl.ds(base, sub)], z2a_v, sem0),
            pltpu.make_async_copy(z3_h.at[pl.ds(base, sub)], z3a_v, sem0),
        ]
        for c in d0:
            c.start()

        pbase = base + sub

        def std_in1():
            return [
                pltpu.make_async_copy(p_h.at[:, pl.ds(pbase, sub)], pb_v, sem1),
                pltpu.make_async_copy(z1_h.at[pl.ds(pbase, sub)], z1b_v, sem1),
                pltpu.make_async_copy(z2_h.at[pl.ds(pbase, sub)], z2b_v, sem1),
                pltpu.make_async_copy(z3_h.at[pl.ds(pbase, sub)], z3b_v, sem1),
            ]

        def last_in1():
            cs = []
            if p1_main > 0:
                cs.append(pltpu.make_async_copy(
                    p_h.at[:, pl.ds(p1_base, p1_main)],
                    pb_v.at[:, pl.ds(0, p1_main)], sem1))
            if tail_len > 0:
                cs.append(pltpu.make_async_copy(
                    ptail_h, pb_v.at[:, pl.ds(p1_main, _T)], sem1))
            cs.append(pltpu.make_async_copy(
                z1_h.at[pl.ds(p1_base, p1_z)], z1b_v.at[pl.ds(0, p1_z)], sem1))
            cs.append(pltpu.make_async_copy(
                z2_h.at[pl.ds(p1_base, p1_z)], z2b_v.at[pl.ds(0, p1_z)], sem1))
            cs.append(pltpu.make_async_copy(
                z3_h.at[pl.ds(p1_base, p1_z)], z3b_v.at[pl.ds(0, p1_z)], sem1))
            return cs

        @pl.when(jnp.logical_not(is_last))
        def _():
            for c in std_in1():
                c.start()

        @pl.when(is_last)
        def _():
            for c in last_in1():
                c.start()

        pltpu.sync_copy(alpha_h, a_v)
        for s in range(2):
            x = a_v[pl.ds(s * _L, _L)]
            a_v[pl.ds(s * _L, _L)] = 1.0 / (1.0 + jnp.exp(-x))

        eps = jnp.float32(1e-8)
        one = jnp.float32(1.0)
        m31 = jnp.int32(31)

        def make_body(p_v, z1_v, z2_v, z3_v):
            def body(off):
                p0 = p_v[0, pl.ds(off, _L)]
                p1 = p_v[1, pl.ds(off, _L)]
                p2 = p_v[2, pl.ds(off, _L)]
                zz1 = z1_v[pl.ds(off, _L)] & m31
                zz2 = z2_v[pl.ds(off, _L)] & m31
                zz3 = z3_v[pl.ds(off, _L)] & m31
                a0 = plsc.load_gather(a_v, [zz3])
                a1 = plsc.load_gather(a_v, [zz2])
                a2 = plsc.load_gather(a_v, [zz1])

                b01 = p0 <= p1
                b02 = p0 <= p2
                b12 = p1 <= p2
                nb01 = jnp.logical_not(b01)
                mn01 = jnp.minimum(p0, p1)
                mx01 = jnp.maximum(p0, p1)
                P_min = jnp.minimum(mn01, p2)
                P_max = jnp.maximum(mx01, p2)
                P_mid = jnp.maximum(mn01, jnp.minimum(mx01, p2))
                e00 = b01 & b02
                e10 = nb01 & b12
                e02 = jnp.logical_not(b01 | b02)
                e12 = b01 & jnp.logical_not(b12)
                e01 = b01 ^ b02
                e11 = jnp.logical_not(b01 ^ b12)
                al_min = jnp.where(e00, a0, jnp.where(e10, a1, a2))
                al_mid = jnp.where(e01, a0, jnp.where(e11, a1, a2))
                al_max = jnp.where(e02, a0, jnp.where(e12, a1, a2))

                t = al_mid * al_max
                u = al_min * al_max
                v = al_min * al_mid
                pg_3 = al_min * t
                pg_2_min = t - pg_3
                pg_2_mid = u - pg_3
                pg_2_max = v - pg_3
                sg = pg_3 + pg_2_min + pg_2_mid + pg_2_max
                pg_lt2 = one - sg
                pg_geq2 = sg + eps
                pg_geq2_ex_max = pg_geq2 - pg_2_max
                pg_geq2_ex_mid = pg_geq2 - pg_2_mid
                pg_geq2_ex_min = pg_geq2 - pg_2_min
                x2 = pg_lt2 * pg_lt2
                x4 = x2 * x2
                x8 = x4 * x4
                surv = one - x8 * pg_lt2
                num = pg_3 * surv
                pp_3 = num / pg_geq2
                pp_max_all = num / pg_geq2_ex_max - pp_3
                pp_mid_all = num / pg_geq2_ex_mid - pp_3
                pp_min_all = num / pg_geq2_ex_min - pp_3
                pp_indep = one - pp_3 - pp_max_all - pp_mid_all - pp_min_all

                A = pp_max_all * P_max
                B = pp_mid_all * P_mid
                C = pp_indep * (P_max * P_mid)
                p_3 = P_min * (pp_3 + A + (B + B) + C)
                d = P_mid - P_min
                w = one - P_min
                p_2 = ((pp_3 + A) * d + B * (P_max - P_min)
                       + w * (pp_min_all * P_mid + C))

                o_v[0, pl.ds(off, _L)] = p_3
                o_v[1, pl.ds(off, _L)] = p_2
            return body

        for c in d0:
            c.wait()
        plsc.parallel_loop(0, sub, step=_L, unroll=2)(
            make_body(pa_v, z1a_v, z2a_v, z3a_v))
        pltpu.sync_copy(o_v, out_h.at[:, pl.ds(base, sub)])

        @pl.when(jnp.logical_not(is_last))
        def _():
            for c in std_in1():
                c.wait()

        @pl.when(is_last)
        def _():
            for c in last_in1():
                c.wait()

        plsc.parallel_loop(0, sub, step=_L, unroll=2)(
            make_body(pb_v, z1b_v, z2b_v, z3b_v))

        @pl.when(jnp.logical_not(is_last))
        def _():
            pltpu.sync_copy(o_v, out_h.at[:, pl.ds(pbase, sub)])

        @pl.when(is_last)
        def _():
            pltpu.sync_copy(o_v.at[:, pl.ds(0, p1_out)],
                            out_h.at[:, pl.ds(p1_base, p1_out)])

    return sc_kernel


def kernel(alpha, p_stack, zero1, zero2, zero3):
    n = p_stack.shape[0]
    n_full = (n // _T) * _T
    z1 = zero1.astype(jnp.int32)
    z2 = zero2.astype(jnp.int32)
    z3 = zero3.astype(jnp.int32)
    alpha32 = jnp.pad(alpha.astype(jnp.float32), (0, 32 - alpha.shape[0]))
    p_tail = jnp.pad(p_stack[n_full:], ((0, _T - (n - n_full)), (0, 0))).T

    out = _sc_call(n)(alpha32, p_stack.T, p_tail, z1, z2, z3)
    return out.T[:n]

# --- scband reference (transcript-rebuilt; emitter-appended) ---
"""Pipeline reference for scband-iter-binding-kronecker-68839735820339 (READ-ONLY COPY).

The authoritative reference and input builder live on the scoring server;
editing this copy changes nothing except your own understanding.
"""

import jax, jax.numpy as jnp
import numpy as np
import math

K = 16
N_ROUND = 10
NUM_EPS = 1e-08


def _build_constants():
    seed = np.array([[0.9, 0.5], [0.5, 0.2]], dtype=np.float64)
    idx = []
    for x0 in range(K + 1):
        x1 = K - x0
        for x00 in range(x0 + 1):
            x01 = x0 - x00
            for x10 in range(x1 + 1):
                x11 = x1 - x10
                for x000 in range(x00 + 1):
                    x001 = x00 - x000
                    for x010 in range(x01 + 1):
                        x011 = x01 - x010
                        for x100 in range(x10 + 1):
                            x101 = x10 - x100
                            for x110 in range(x11 + 1):
                                x111 = x11 - x110
                                if x01 == 0 and x10 == 0:
                                    continue
                                if x001 == 0 and x011 == 0 and x100 == 0 and x110 == 0:
                                    continue
                                if x001 == 0 and x010 == 0 and x101 == 0 and x110 == 0:
                                    continue
                                idx.append([x0, x1, x00, x01, x10, x11, x000, x001, x010, x011, x100, x101, x110, x111])
    idx = np.array(idx, dtype=np.int64)
    (x0, x1, x00, x01, x10, x11, x000, x001, x010, x011, x100, x101, x110, x111) = [idx[:, i] for i in range(14)]
    r12 = np.stack((x00, x01, x10, x11), axis=1)
    r13 = np.stack((x000 + x010, x001 + x011, x100 + x110, x101 + x111), axis=1)
    r23 = np.stack((x000 + x100, x001 + x101, x010 + x110, x011 + x111), axis=1)
    zero1 = x0
    zero2 = x00 + x10
    zero3 = x000 + x010 + x100 + x110
    ar = np.arange(K + 1)
    i1, i2, i3, i4 = np.meshgrid(ar, ar, ar, ar, indexing='ij')
    P = seed[0, 0] ** i1 * seed[0, 1] ** i2 * seed[1, 0] ** i3 * seed[1, 1] ** i4
    p12 = P[r12[:, 0], r12[:, 1], r12[:, 2], r12[:, 3]]
    p13 = P[r13[:, 0], r13[:, 1], r13[:, 2], r13[:, 3]]
    p23 = P[r23[:, 0], r23[:, 1], r23[:, 2], r23[:, 3]]
    p_stack = np.stack((p12, p13, p23), axis=1).astype(np.float32)
    return p_stack, zero1.astype(np.int64), zero2.astype(np.int64), zero3.astype(np.int64)


def setup_inputs() -> dict:
    p_stack, zero1, zero2, zero3 = _build_constants()
    alpha = jnp.full((K + 1,), float(np.log(0.8 / 0.2)), dtype=jnp.float32)
    return {
        'alpha': alpha,
        'p_stack': jnp.asarray(p_stack),
        'zero1': jnp.asarray(zero1),
        'zero2': jnp.asarray(zero2),
        'zero3': jnp.asarray(zero3),
    }


def reference(alpha, p_stack, zero1, zero2, zero3):
    a = jax.nn.sigmoid(alpha)
    alpha1 = a[zero1]
    alpha2 = a[zero2]
    alpha3 = a[zero3]
    alpha_stack = jnp.stack((alpha3, alpha2, alpha1), axis=1)
    n_round = jnp.asarray(float(N_ROUND), dtype=p_stack.dtype)
    order = jnp.argsort(p_stack, axis=-1)
    P_sorted = jnp.take_along_axis(p_stack, order, axis=-1)
    P_min = P_sorted[..., 0]
    P_mid = P_sorted[..., 1]
    P_max = P_sorted[..., 2]
    a_sorted = jnp.take_along_axis(alpha_stack, order, axis=-1)
    alpha_min = a_sorted[..., 0]
    alpha_mid = a_sorted[..., 1]
    alpha_max = a_sorted[..., 2]
    pg_3 = alpha_min * alpha_mid * alpha_max
    pg_2_min = (1 - alpha_min) * alpha_mid * alpha_max
    pg_2_mid = alpha_min * (1 - alpha_mid) * alpha_max
    pg_2_max = alpha_min * alpha_mid * (1 - alpha_max)
    pg_lt2 = 1 - pg_3 - pg_2_min - pg_2_mid - pg_2_max
    pg_geq2 = pg_3 + pg_2_min + pg_2_mid + pg_2_max + NUM_EPS
    pg_geq2_ex_max = pg_3 + pg_2_min + pg_2_mid + NUM_EPS
    pg_geq2_ex_mid = pg_3 + pg_2_min + pg_2_max + NUM_EPS
    pg_geq2_ex_min = pg_3 + pg_2_mid + pg_2_max + NUM_EPS
    surv = 1 - pg_lt2 ** (n_round - 1)
    pp_3 = pg_3 * surv / pg_geq2
    pp_max_all = pg_3 * surv / pg_geq2_ex_max - pp_3
    pp_mid_all = pg_3 * surv / pg_geq2_ex_mid - pp_3
    pp_min_all = pg_3 * surv / pg_geq2_ex_min - pp_3
    pp_indep = 1 - pp_3 - pp_max_all - pp_mid_all - pp_min_all
    p_3 = (pp_3 * P_min + pp_max_all * P_max * P_min + pp_mid_all * P_mid * P_min
           + pp_mid_all * P_mid * P_min + pp_indep * P_max * P_mid * P_min)
    p_2_max_mid = (pp_3 * (P_mid - P_min) + pp_max_all * P_max * (P_mid - P_min)
                   + pp_mid_all * P_mid * (P_max - P_min) + pp_min_all * (1 - P_min) * P_mid
                   + pp_indep * P_max * P_mid * (1 - P_min))
    return jnp.stack((p_3, p_2_max_mid), axis=-1)

if __name__ == "__main__":
    import jax
    _d = setup_inputs()
    print(jax.jit(kernel)(*tuple(_d.values())))

</pallas_src>

<mosaic_0001>
#map = affine_map<(d0, d1) -> (0)>
#map1 = affine_map<(d0, d1) -> (0, 0)>
module attributes {stable_mosaic.version = 14 : i64} {
  func.func @sc_kernel(%arg0: i32, %arg1: i32, %arg2: memref<32xf32, #tpu.memory_space<hbm>>, %arg3: memref<3x242284xf32, #tpu.memory_space<hbm>>, %arg4: memref<3x128xf32, #tpu.memory_space<hbm>>, %arg5: memref<242284xi32, #tpu.memory_space<hbm>>, %arg6: memref<242284xi32, #tpu.memory_space<hbm>>, %arg7: memref<242284xi32, #tpu.memory_space<hbm>>, %arg8: memref<2x242304xf32, #tpu.memory_space<hbm>>, %arg9: memref<32xf32, #tpu.memory_space<vmem>>, %arg10: memref<3x3840xf32, #tpu.memory_space<vmem>>, %arg11: memref<3x3840xf32, #tpu.memory_space<vmem>>, %arg12: memref<3840xi32, #tpu.memory_space<vmem>>, %arg13: memref<3840xi32, #tpu.memory_space<vmem>>, %arg14: memref<3840xi32, #tpu.memory_space<vmem>>, %arg15: memref<3840xi32, #tpu.memory_space<vmem>>, %arg16: memref<3840xi32, #tpu.memory_space<vmem>>, %arg17: memref<3840xi32, #tpu.memory_space<vmem>>, %arg18: memref<2x3840xf32, #tpu.memory_space<vmem>>, %arg19: memref<!tpu.dma_semaphore, #tpu.memory_space<semaphore_mem>>, %arg20: memref<!tpu.dma_semaphore, #tpu.memory_space<semaphore_mem>>) attributes {dimension_semantics = [#tpu.dimension_semantics<core_parallel>, #tpu.dimension_semantics<subcore_parallel>], iteration_bounds = array<i64: 2, 16>, scalar_prefetch = 0 : i64, scratch_operands = 12 : i64, tpu.core_type = #tpu.core_type<sc_vector_subcore>, window_params = [{transform_indices = #map}, {transform_indices = #map1}, {transform_indices = #map1}, {transform_indices = #map}, {transform_indices = #map}, {transform_indices = #map}, {transform_indices = #map1}]} {
    %mul3A = arith.constant 2 : i32
    %mul3A_0 = arith.muli %arg1, %mul3A : i32
    %add3A = arith.addi %mul3A_0, %arg0 : i32
    %mul3A_1 = arith.constant 7680 : i32
    %mul3A_2 = arith.muli %add3A, %mul3A_1 : i32
    %eq3A = arith.constant 31 : i32
    %eq3A_3 = arith.cmpi eq, %add3A, %eq3A : i32
    %dma_start3A = arith.constant 0 : i32
    %dma_start3A_4 = tpu.memref_slice %arg3[%dma_start3A, %mul3A_2] : memref<3x242284xf32, #tpu.memory_space<hbm>> -> memref<3x3840xf32, #tpu.memory_space<hbm>>
    %dma_start3A_5 = arith.constant 0 : i32
    %dma_start3A_6 = tpu.memref_slice %arg3[%dma_start3A_5, %mul3A_2] : memref<3x242284xf32, #tpu.memory_space<hbm>> -> memref<3x3840xf32, #tpu.memory_space<hbm>>
    tpu.enqueue_dma source(%dma_start3A_6 : memref<3x3840xf32, #tpu.memory_space<hbm>>) target(%arg10 : memref<3x3840xf32, #tpu.memory_space<vmem>>) target_semaphore(%arg19 : memref<!tpu.dma_semaphore, #tpu.memory_space<semaphore_mem>>)
    %dma_start3A_7 = tpu.memref_slice %arg5[%mul3A_2] : memref<242284xi32, #tpu.memory_space<hbm>> -> memref<3840xi32, #tpu.memory_space<hbm>>
    %dma_start3A_8 = tpu.memref_slice %arg5[%mul3A_2] : memref<242284xi32, #tpu.memory_space<hbm>> -> memref<3840xi32, #tpu.memory_space<hbm>>
    tpu.enqueue_dma source(%dma_start3A_8 : memref<3840xi32, #tpu.memory_space<hbm>>) target(%arg12 : memref<3840xi32, #tpu.memory_space<vmem>>) target_semaphore(%arg19 : memref<!tpu.dma_semaphore, #tpu.memory_space<semaphore_mem>>)
    %dma_start3A_9 = tpu.memref_slice %arg6[%mul3A_2] : memref<242284xi32, #tpu.memory_space<hbm>> -> memref<3840xi32, #tpu.memory_space<hbm>>
    %dma_start3A_10 = tpu.memref_slice %arg6[%mul3A_2] : memref<242284xi32, #tpu.memory_space<hbm>> -> memref<3840xi32, #tpu.memory_space<hbm>>
    tpu.enqueue_dma source(%dma_start3A_10 : memref<3840xi32, #tpu.memory_space<hbm>>) target(%arg13 : memref<3840xi32, #tpu.memory_space<vmem>>) target_semaphore(%arg19 : memref<!tpu.dma_semaphore, #tpu.memory_space<semaphore_mem>>)
    %dma_start3A_11 = tpu.memref_slice %arg7[%mul3A_2] : memref<242284xi32, #tpu.memory_space<hbm>> -> memref<3840xi32, #tpu.memory_space<hbm>>
    %dma_start3A_12 = tpu.memref_slice %arg7[%mul3A_2] : memref<242284xi32, #tpu.memory_space<hbm>> -> memref<3840xi32, #tpu.memory_space<hbm>>
    tpu.enqueue_dma source(%dma_start3A_12 : memref<3840xi32, #tpu.memory_space<hbm>>) target(%arg14 : memref<3840xi32, #tpu.memory_space<vmem>>) target_semaphore(%arg19 : memref<!tpu.dma_semaphore, #tpu.memory_space<semaphore_mem>>)
    %add3A_13 = arith.constant 3840 : i32
    %add3A_14 = arith.addi %mul3A_2, %add3A_13 : i32
    %not3A = arith.constant true
    %not3A_15 = arith.xori %eq3A_3, %not3A : i1
    %convert_element_type3A = arith.extui %not3A_15 : i1 to i32
    %cond3A = arith.constant 0 : i32
    %cond3A_16 = arith.cmpi ne, %convert_element_type3A, %cond3A : i32
    scf.if %cond3A_16 {
      %dma_start3A_79 = arith.constant 0 : i32
      %dma_start3A_80 = tpu.memref_slice %arg3[%dma_start3A_79, %add3A_14] : memref<3x242284xf32, #tpu.memory_space<hbm>> -> memref<3x3840xf32, #tpu.memory_space<hbm>>
      %dma_start3A_81 = arith.constant 0 : i32
      %dma_start3A_82 = tpu.memref_slice %arg3[%dma_start3A_81, %add3A_14] : memref<3x242284xf32, #tpu.memory_space<hbm>> -> memref<3x3840xf32, #tpu.memory_space<hbm>>
      tpu.enqueue_dma source(%dma_start3A_82 : memref<3x3840xf32, #tpu.memory_space<hbm>>) target(%arg11 : memref<3x3840xf32, #tpu.memory_space<vmem>>) target_semaphore(%arg20 : memref<!tpu.dma_semaphore, #tpu.memory_space<semaphore_mem>>)
      %dma_start3A_83 = tpu.memref_slice %arg5[%add3A_14] : memref<242284xi32, #tpu.memory_space<hbm>> -> memref<3840xi32, #tpu.memory_space<hbm>>
      %dma_start3A_84 = tpu.memref_slice %arg5[%add3A_14] : memref<242284xi32, #tpu.memory_space<hbm>> -> memref<3840xi32, #tpu.memory_space<hbm>>
      tpu.enqueue_dma source(%dma_start3A_84 : memref<3840xi32, #tpu.memory_space<hbm>>) target(%arg15 : memref<3840xi32, #tpu.memory_space<vmem>>) target_semaphore(%arg20 : memref<!tpu.dma_semaphore, #tpu.memory_space<semaphore_mem>>)
      %dma_start3A_85 = tpu.memref_slice %arg6[%add3A_14] : memref<242284xi32, #tpu.memory_space<hbm>> -> memref<3840xi32, #tpu.memory_space<hbm>>
      %dma_start3A_86 = tpu.memref_slice %arg6[%add3A_14] : memref<242284xi32, #tpu.memory_space<hbm>> -> memref<3840xi32, #tpu.memory_space<hbm>>
      tpu.enqueue_dma source(%dma_start3A_86 : memref<3840xi32, #tpu.memory_space<hbm>>) target(%arg16 : memref<3840xi32, #tpu.memory_space<vmem>>) target_semaphore(%arg20 : memref<!tpu.dma_semaphore, #tpu.memory_space<semaphore_mem>>)
      %dma_start3A_87 = tpu.memref_slice %arg7[%add3A_14] : memref<242284xi32, #tpu.memory_space<hbm>> -> memref<3840xi32, #tpu.memory_space<hbm>>
      %dma_start3A_88 = tpu.memref_slice %arg7[%add3A_14] : memref<242284xi32, #tpu.memory_space<hbm>> -> memref<3840xi32, #tpu.memory_space<hbm>>
      tpu.enqueue_dma source(%dma_start3A_88 : memref<3840xi32, #tpu.memory_space<hbm>>) target(%arg17 : memref<3840xi32, #tpu.memory_space<vmem>>) target_semaphore(%arg20 : memref<!tpu.dma_semaphore, #tpu.memory_space<semaphore_mem>>)
    } else {
    }
    %convert_element_type3A_17 = arith.extui %eq3A_3 : i1 to i32
    %cond3A_18 = arith.constant 0 : i32
    %cond3A_19 = arith.cmpi ne, %convert_element_type3A_17, %cond3A_18 : i32
    scf.if %cond3A_19 {
      %dma_start3A_79 = arith.constant 0 : i32
      %dma_start3A_80 = arith.constant 0 : i32
      %dma_start3A_81 = tpu.memref_slice %arg11[%dma_start3A_79, %dma_start3A_80] : memref<3x3840xf32, #tpu.memory_space<vmem>> -> memref<3x256xf32, #tpu.memory_space<vmem>>
      %dma_start3A_82 = arith.constant 0 : i32
      %dma_start3A_83 = arith.constant 241920 : i32
      %dma_start3A_84 = tpu.memref_slice %arg3[%dma_start3A_82, %dma_start3A_83] : memref<3x242284xf32, #tpu.memory_space<hbm>> -> memref<3x256xf32, #tpu.memory_space<hbm>>
      %dma_start3A_85 = arith.constant 0 : i32
      %dma_start3A_86 = arith.constant 0 : i32
      %dma_start3A_87 = tpu.memref_slice %arg11[%dma_start3A_85, %dma_start3A_86] : memref<3x3840xf32, #tpu.memory_space<vmem>> -> memref<3x256xf32, #tpu.memory_space<vmem>>
      %dma_start3A_88 = arith.constant 0 : i32
      %dma_start3A_89 = arith.constant 241920 : i32
      %dma_start3A_90 = tpu.memref_slice %arg3[%dma_start3A_88, %dma_start3A_89] : memref<3x242284xf32, #tpu.memory_space<hbm>> -> memref<3x256xf32, #tpu.memory_space<hbm>>
      tpu.enqueue_dma source(%dma_start3A_90 : memref<3x256xf32, #tpu.memory_space<hbm>>) target(%dma_start3A_87 : memref<3x256xf32, #tpu.memory_space<vmem>>) target_semaphore(%arg20 : memref<!tpu.dma_semaphore, #tpu.memory_space<semaphore_mem>>)
      %dma_start3A_91 = arith.constant 0 : i32
      %dma_start3A_92 = arith.constant 256 : i32
      %dma_start3A_93 = tpu.memref_slice %arg11[%dma_start3A_91, %dma_start3A_92] : memref<3x3840xf32, #tpu.memory_space<vmem>> -> memref<3x128xf32, #tpu.memory_space<vmem>>
      %dma_start3A_94 = arith.constant 0 : i32
      %dma_start3A_95 = arith.constant 256 : i32
      %dma_start3A_96 = tpu.memref_slice %arg11[%dma_start3A_94, %dma_start3A_95] : memref<3x3840xf32, #tpu.memory_space<vmem>> -> memref<3x128xf32, #tpu.memory_space<vmem>>
      tpu.enqueue_dma source(%arg4 : memref<3x128xf32, #tpu.memory_space<hbm>>) target(%dma_start3A_96 : memref<3x128xf32, #tpu.memory_space<vmem>>) target_semaphore(%arg20 : memref<!tpu.dma_semaphore, #tpu.memory_space<semaphore_mem>>)
      %dma_start3A_97 = arith.constant 0 : i32
      %dma_start3A_98 = tpu.memref_slice %arg15[%dma_start3A_97] : memref<3840xi32, #tpu.memory_space<vmem>> -> memref<364xi32, #tpu.memory_space<vmem>>
      %dma_start3A_99 = arith.constant 241920 : i32
      %dma_start3A_100 = tpu.memref_slice %arg5[%dma_start3A_99] : memref<242284xi32, #tpu.memory_space<hbm>> -> memref<364xi32, #tpu.memory_space<hbm>>
      %dma_start3A_101 = arith.constant 0 : i32
      %dma_start3A_102 = tpu.memref_slice %arg15[%dma_start3A_101] : memref<3840xi32, #tpu.memory_space<vmem>> -> memref<364xi32, #tpu.memory_space<vmem>>
      %dma_start3A_103 = arith.constant 241920 : i32
      %dma_start3A_104 = tpu.memref_slice %arg5[%dma_start3A_103] : memref<242284xi32, #tpu.memory_space<hbm>> -> memref<364xi32, #tpu.memory_space<hbm>>
      tpu.enqueue_dma source(%dma_start3A_104 : memref<364xi32, #tpu.memory_space<hbm>>) target(%dma_start3A_102 : memref<364xi32, #tpu.memory_space<vmem>>) target_semaphore(%arg20 : memref<!tpu.dma_semaphore, #tpu.memory_space<semaphore_mem>>)
      %dma_start3A_105 = arith.constant 0 : i32
      %dma_start3A_106 = tpu.memref_slice %arg16[%dma_start3A_105] : memref<3840xi32, #tpu.memory_space<vmem>> -> memref<364xi32, #tpu.memory_space<vmem>>
      %dma_start3A_107 = arith.constant 241920 : i32
      %dma_start3A_108 = tpu.memref_slice %arg6[%dma_start3A_107] : memref<242284xi32, #tpu.memory_space<hbm>> -> memref<364xi32, #tpu.memory_space<hbm>>
      %dma_start3A_109 = arith.constant 0 : i32
      %dma_start3A_110 = tpu.memref_slice %arg16[%dma_start3A_109] : memref<3840xi32, #tpu.memory_space<vmem>> -> memref<364xi32, #tpu.memory_space<vmem>>
      %dma_start3A_111 = arith.constant 241920 : i32
      %dma_start3A_112 = tpu.memref_slice %arg6[%dma_start3A_111] : memref<242284xi32, #tpu.memory_space<hbm>> -> memref<364xi32, #tpu.memory_space<hbm>>
      tpu.enqueue_dma source(%dma_start3A_112 : memref<364xi32, #tpu.memory_space<hbm>>) target(%dma_start3A_110 : memref<364xi32, #tpu.memory_space<vmem>>) target_semaphore(%arg20 : memref<!tpu.dma_semaphore, #tpu.memory_space<semaphore_mem>>)
      %dma_start3A_113 = arith.constant 0 : i32
      %dma_start3A_114 = tpu.memref_slice %arg17[%dma_start3A_113] : memref<3840xi32, #tpu.memory_space<vmem>> -> memref<364xi32, #tpu.memory_space<vmem>>
      %dma_start3A_115 = arith.constant 241920 : i32
      %dma_start3A_116 = tpu.memref_slice %arg7[%dma_start3A_115] : memref<242284xi32, #tpu.memory_space<hbm>> -> memref<364xi32, #tpu.memory_space<hbm>>
      %dma_start3A_117 = arith.constant 0 : i32
      %dma_start3A_118 = tpu.memref_slice %arg17[%dma_start3A_117] : memref<3840xi32, #tpu.memory_space<vmem>> -> memref<364xi32, #tpu.memory_space<vmem>>
      %dma_start3A_119 = arith.constant 241920 : i32
      %dma_start3A_120 = tpu.memref_slice %arg7[%dma_start3A_119] : memref<242284xi32, #tpu.memory_space<hbm>> -> memref<364xi32, #tpu.memory_space<hbm>>
      tpu.enqueue_dma source(%dma_start3A_120 : memref<364xi32, #tpu.memory_space<hbm>>) target(%dma_start3A_118 : memref<364xi32, #tpu.memory_space<vmem>>) target_semaphore(%arg20 : memref<!tpu.dma_semaphore, #tpu.memory_space<semaphore_mem>>)
    } else {
    }
    "tpu.region"() ({
      %run_scoped3A = tpu.sem_alloc : memref<!tpu.dma_semaphore, #tpu.memory_space<semaphore_mem>>
      tpu.enqueue_dma source(%arg2 : memref<32xf32, #tpu.memory_space<hbm>>) target(%arg9 : memref<32xf32, #tpu.memory_space<vmem>>) target_semaphore(%run_scoped3A : memref<!tpu.dma_semaphore, #tpu.memory_space<semaphore_mem>>)
      tpu.wait_dma2 semaphore(%run_scoped3A : memref<!tpu.dma_semaphore, #tpu.memory_space<semaphore_mem>>) src(%arg2 : memref<32xf32, #tpu.memory_space<hbm>>) dst(%arg9 : memref<32xf32, #tpu.memory_space<vmem>>)
      tpu.yield
    }) : () -> ()
    %get3A = arith.constant 0 : index
    %get3A_20 = tpu.vector_load %arg9[%get3A] {strides = array<i32>} : memref<32xf32, #tpu.memory_space<vmem>>, vector<16xf32>,
    %neg3A = arith.constant 0.000000e+00 : f32
    %neg3A_21 = vector.broadcast %neg3A : f32 to vector<16xf32>
    %neg3A_22 = arith.subf %neg3A_21, %get3A_20 : vector<16xf32>
    %exp3A = math.exp %neg3A_22 : vector<16xf32>
    %add3A_23 = arith.constant 1.000000e+00 : f32
    %add3A_24 = vector.broadcast %add3A_23 : f32 to vector<16xf32>
    %add3A_25 = arith.addf %add3A_24, %exp3A : vector<16xf32>
    %div3A = arith.constant 1.000000e+00 : f32
    %div3A_26 = vector.broadcast %div3A : f32 to vector<16xf32>
    %div3A_27 = arith.divf %div3A_26, %add3A_25 : vector<16xf32>
    %swap3A = arith.constant 0 : index
    %swap3A_28 = tpu.vector_load %arg9[%swap3A] {strides = array<i32>} : memref<32xf32, #tpu.memory_space<vmem>>, vector<16xf32>,
    tpu.vector_store %arg9[%swap3A], %div3A_27 {strides = array<i32>} : memref<32xf32, #tpu.memory_space<vmem>>, vector<16xf32>,
    %get3A_29 = arith.constant 16 : index
    %get3A_30 = tpu.vector_load %arg9[%get3A_29] {strides = array<i32>} : memref<32xf32, #tpu.memory_space<vmem>>, vector<16xf32>,
    %neg3A_31 = arith.constant 0.000000e+00 : f32
    %neg3A_32 = vector.broadcast %neg3A_31 : f32 to vector<16xf32>
    %neg3A_33 = arith.subf %neg3A_32, %get3A_30 : vector<16xf32>
    %exp3A_34 = math.exp %neg3A_33 : vector<16xf32>
    %add3A_35 = arith.constant 1.000000e+00 : f32
    %add3A_36 = vector.broadcast %add3A_35 : f32 to vector<16xf32>
    %add3A_37 = arith.addf %add3A_36, %exp3A_34 : vector<16xf32>
    %div3A_38 = arith.constant 1.000000e+00 : f32
    %div3A_39 = vector.broadcast %div3A_38 : f32 to vector<16xf32>
    %div3A_40 = arith.divf %div3A_39, %add3A_37 : vector<16xf32>
    %swap3A_41 = arith.constant 16 : index
    %swap3A_42 = tpu.vector_load %arg9[%swap3A_41] {strides = array<i32>} : memref<32xf32, #tpu.memory_space<vmem>>, vector<16xf32>,
    tpu.vector_store %arg9[%swap3A_41], %div3A_40 {strides = array<i32>} : memref<32xf32, #tpu.memory_space<vmem>>, vector<16xf32>,
    %dma_wait3A = arith.constant 0 : i32
    %dma_wait3A_43 = tpu.memref_slice %arg3[%dma_wait3A, %mul3A_2] : memref<3x242284xf32, #tpu.memory_space<hbm>> -> memref<3x3840xf32, #tpu.memory_space<hbm>>
    %dma_wait3A_44 = arith.constant 0 : i32
    %dma_wait3A_45 = tpu.memref_slice %arg3[%dma_wait3A_44, %mul3A_2] : memref<3x242284xf32, #tpu.memory_space<hbm>> -> memref<3x3840xf32, #tpu.memory_space<hbm>>
    tpu.wait_dma2 semaphore(%arg19 : memref<!tpu.dma_semaphore, #tpu.memory_space<semaphore_mem>>) src(%dma_wait3A_45 : memref<3x3840xf32, #tpu.memory_space<hbm>>) dst(%arg10 : memref<3x3840xf32, #tpu.memory_space<vmem>>)
    %dma_wait3A_46 = tpu.memref_slice %arg5[%mul3A_2] : memref<242284xi32, #tpu.memory_space<hbm>> -> memref<3840xi32, #tpu.memory_space<hbm>>
    %dma_wait3A_47 = tpu.memref_slice %arg5[%mul3A_2] : memref<242284xi32, #tpu.memory_space<hbm>> -> memref<3840xi32, #tpu.memory_space<hbm>>
    tpu.wait_dma2 semaphore(%arg19 : memref<!tpu.dma_semaphore, #tpu.memory_space<semaphore_mem>>) src(%dma_wait3A_47 : memref<3840xi32, #tpu.memory_space<hbm>>) dst(%arg12 : memref<3840xi32, #tpu.memory_space<vmem>>)
    %dma_wait3A_48 = tpu.memref_slice %arg6[%mul3A_2] : memref<242284xi32, #tpu.memory_space<hbm>> -> memref<3840xi32, #tpu.memory_space<hbm>>
    %dma_wait3A_49 = tpu.memref_slice %arg6[%mul3A_2] : memref<242284xi32, #tpu.memory_space<hbm>> -> memref<3840xi32, #tpu.memory_space<hbm>>
    tpu.wait_dma2 semaphore(%arg19 : memref<!tpu.dma_semaphore, #tpu.memory_space<semaphore_mem>>) src(%dma_wait3A_49 : memref<3840xi32, #tpu.memory_space<hbm>>) dst(%arg13 : memref<3840xi32, #tpu.memory_space<vmem>>)
    %dma_wait3A_50 = tpu.memref_slice %arg7[%mul3A_2] : memref<242284xi32, #tpu.memory_space<hbm>> -> memref<3840xi32, #tpu.memory_space<hbm>>
    %dma_wait3A_51 = tpu.memref_slice %arg7[%mul3A_2] : memref<242284xi32, #tpu.memory_space<hbm>> -> memref<3840xi32, #tpu.memory_space<hbm>>
    tpu.wait_dma2 semaphore(%arg19 : memref<!tpu.dma_semaphore, #tpu.memory_space<semaphore_mem>>) src(%dma_wait3A_51 : memref<3840xi32, #tpu.memory_space<hbm>>) dst(%arg14 : memref<3840xi32, #tpu.memory_space<vmem>>)
    %parallel_loop3A = arith.constant 0 : i32
    %parallel_loop3A_52 = arith.constant 3840 : i32
    %parallel_loop3A_53 = arith.constant 16 : i32
    %parallel_loop3A_54 = arith.constant 31 : i32
    %parallel_loop3A_55 = arith.constant 1.000000e+00 : f32
    %parallel_loop3A_56 = arith.constant 9.99999993E-9 : f32
    scf.for %parallel_loop3A_79 = %parallel_loop3A to %parallel_loop3A_52 step %parallel_loop3A_53  : i32 {
      %parallel_loop3A_80 = arith.constant 0 : i32
      %parallel_loop3A_81 = arith.index_cast %parallel_loop3A_80 : i32 to index
      %parallel_loop3A_82 = arith.index_cast %parallel_loop3A_79 : i32 to index
      %parallel_loop3A_83 = tpu.vector_load %arg10[%parallel_loop3A_81, %parallel_loop3A_82] {strides = array<i32>} : memref<3x3840xf32, #tpu.memory_space<vmem>>, vector<16xf32>,
      %parallel_loop3A_84 = arith.constant 1 : i32
      %parallel_loop3A_85 = arith.index_cast %parallel_loop3A_84 : i32 to index
      %parallel_loop3A_86 = arith.index_cast %parallel_loop3A_79 : i32 to index
      %parallel_loop3A_87 = tpu.vector_load %arg10[%parallel_loop3A_85, %parallel_loop3A_86] {strides = array<i32>} : memref<3x3840xf32, #tpu.memory_space<vmem>>, vector<16xf32>,
      %parallel_loop3A_88 = arith.constant 2 : i32
      %parallel_loop3A_89 = arith.index_cast %parallel_loop3A_88 : i32 to index
      %parallel_loop3A_90 = arith.index_cast %parallel_loop3A_79 : i32 to index
      %parallel_loop3A_91 = tpu.vector_load %arg10[%parallel_loop3A_89, %parallel_loop3A_90] {strides = array<i32>} : memref<3x3840xf32, #tpu.memory_space<vmem>>, vector<16xf32>,
      %parallel_loop3A_92 = arith.index_cast %parallel_loop3A_79 : i32 to index
      %parallel_loop3A_93 = tpu.vector_load %arg12[%parallel_loop3A_92] {strides = array<i32>} : memref<3840xi32, #tpu.memory_space<vmem>>, vector<16xi32>,
      %parallel_loop3A_94 = vector.broadcast %parallel_loop3A_54 : i32 to vector<16xi32>
      %parallel_loop3A_95 = arith.andi %parallel_loop3A_93, %parallel_loop3A_94 : vector<16xi32>
      %parallel_loop3A_96 = arith.index_cast %parallel_loop3A_79 : i32 to index
      %parallel_loop3A_97 = tpu.vector_load %arg13[%parallel_loop3A_96] {strides = array<i32>} : memref<3840xi32, #tpu.memory_space<vmem>>, vector<16xi32>,
      %parallel_loop3A_98 = vector.broadcast %parallel_loop3A_54 : i32 to vector<16xi32>
      %parallel_loop3A_99 = arith.andi %parallel_loop3A_97, %parallel_loop3A_98 : vector<16xi32>
      %parallel_loop3A_100 = arith.index_cast %parallel_loop3A_79 : i32 to index
      %parallel_loop3A_101 = tpu.vector_load %arg14[%parallel_loop3A_100] {strides = array<i32>} : memref<3840xi32, #tpu.memory_space<vmem>>, vector<16xi32>,
      %parallel_loop3A_102 = vector.broadcast %parallel_loop3A_54 : i32 to vector<16xi32>
      %parallel_loop3A_103 = arith.andi %parallel_loop3A_101, %parallel_loop3A_102 : vector<16xi32>
      %parallel_loop3A_104 = tpu.vector_load_idx %arg9[%parallel_loop3A_103] : memref<32xf32, #tpu.memory_space<vmem>>[vector<16xi32>], vector<16xf32>,
      %parallel_loop3A_105 = tpu.vector_load_idx %arg9[%parallel_loop3A_99] : memref<32xf32, #tpu.memory_space<vmem>>[vector<16xi32>], vector<16xf32>,
      %parallel_loop3A_106 = tpu.vector_load_idx %arg9[%parallel_loop3A_95] : memref<32xf32, #tpu.memory_space<vmem>>[vector<16xi32>], vector<16xf32>,
      %parallel_loop3A_107 = arith.cmpf ole, %parallel_loop3A_83, %parallel_loop3A_87 : vector<16xf32>
      %parallel_loop3A_108 = arith.cmpf ole, %parallel_loop3A_83, %parallel_loop3A_91 : vector<16xf32>
      %parallel_loop3A_109 = arith.cmpf ole, %parallel_loop3A_87, %parallel_loop3A_91 : vector<16xf32>
      %parallel_loop3A_110 = arith.constant dense<true> : vector<16xi1>
      %parallel_loop3A_111 = arith.xori %parallel_loop3A_107, %parallel_loop3A_110 : vector<16xi1>
      %parallel_loop3A_112 = arith.minimumf %parallel_loop3A_83, %parallel_loop3A_87 : vector<16xf32>
      %parallel_loop3A_113 = arith.maximumf %parallel_loop3A_83, %parallel_loop3A_87 : vector<16xf32>
      %parallel_loop3A_114 = arith.minimumf %parallel_loop3A_112, %parallel_loop3A_91 : vector<16xf32>
      %parallel_loop3A_115 = arith.maximumf %parallel_loop3A_113, %parallel_loop3A_91 : vector<16xf32>
      %parallel_loop3A_116 = arith.minimumf %parallel_loop3A_113, %parallel_loop3A_91 : vector<16xf32>
      %parallel_loop3A_117 = arith.maximumf %parallel_loop3A_112, %parallel_loop3A_116 : vector<16xf32>
      %parallel_loop3A_118 = arith.andi %parallel_loop3A_107, %parallel_loop3A_108 : vector<16xi1>
      %parallel_loop3A_119 = arith.andi %parallel_loop3A_111, %parallel_loop3A_109 : vector<16xi1>
      %parallel_loop3A_120 = arith.ori %parallel_loop3A_107, %parallel_loop3A_108 : vector<16xi1>
      %parallel_loop3A_121 = arith.constant dense<true> : vector<16xi1>
      %parallel_loop3A_122 = arith.xori %parallel_loop3A_120, %parallel_loop3A_121 : vector<16xi1>
      %parallel_loop3A_123 = arith.constant dense<true> : vector<16xi1>
      %parallel_loop3A_124 = arith.xori %parallel_loop3A_109, %parallel_loop3A_123 : vector<16xi1>
      %parallel_loop3A_125 = arith.andi %parallel_loop3A_107, %parallel_loop3A_124 : vector<16xi1>
      %parallel_loop3A_126 = arith.xori %parallel_loop3A_107, %parallel_loop3A_108 : vector<16xi1>
      %parallel_loop3A_127 = arith.xori %parallel_loop3A_107, %parallel_loop3A_109 : vector<16xi1>
      %parallel_loop3A_128 = arith.constant dense<true> : vector<16xi1>
      %parallel_loop3A_129 = arith.xori %parallel_loop3A_127, %parallel_loop3A_128 : vector<16xi1>
      %parallel_loop3A_130 = arith.select %parallel_loop3A_119, %parallel_loop3A_105, %parallel_loop3A_106 : vector<16xi1>, vector<16xf32>
      %parallel_loop3A_131 = arith.select %parallel_loop3A_118, %parallel_loop3A_104, %parallel_loop3A_130 : vector<16xi1>, vector<16xf32>
      %parallel_loop3A_132 = arith.select %parallel_loop3A_129, %parallel_loop3A_105, %parallel_loop3A_106 : vector<16xi1>, vector<16xf32>
      %parallel_loop3A_133 = arith.select %parallel_loop3A_126, %parallel_loop3A_104, %parallel_loop3A_132 : vector<16xi1>, vector<16xf32>
      %parallel_loop3A_134 = arith.select %parallel_loop3A_125, %parallel_loop3A_105, %parallel_loop3A_106 : vector<16xi1>, vector<16xf32>
      %parallel_loop3A_135 = arith.select %parallel_loop3A_122, %parallel_loop3A_104, %parallel_loop3A_134 : vector<16xi1>, vector<16xf32>
      %parallel_loop3A_136 = arith.mulf %parallel_loop3A_133, %parallel_loop3A_135 : vector<16xf32>
      %parallel_loop3A_137 = arith.mulf %parallel_loop3A_131, %parallel_loop3A_135 : vector<16xf32>
      %parallel_loop3A_138 = arith.mulf %parallel_loop3A_131, %parallel_loop3A_133 : vector<16xf32>
      %parallel_loop3A_139 = arith.mulf %parallel_loop3A_131, %parallel_loop3A_136 : vector<16xf32>
      %parallel_loop3A_140 = arith.subf %parallel_loop3A_136, %parallel_loop3A_139 : vector<16xf32>
      %parallel_loop3A_141 = arith.subf %parallel_loop3A_137, %parallel_loop3A_139 : vector<16xf32>
      %parallel_loop3A_142 = arith.subf %parallel_loop3A_138, %parallel_loop3A_139 : vector<16xf32>
      %parallel_loop3A_143 = arith.addf %parallel_loop3A_139, %parallel_loop3A_140 : vector<16xf32>
      %parallel_loop3A_144 = arith.addf %parallel_loop3A_143, %parallel_loop3A_141 : vector<16xf32>
      %parallel_loop3A_145 = arith.addf %parallel_loop3A_144, %parallel_loop3A_142 : vector<16xf32>
      %parallel_loop3A_146 = vector.broadcast %parallel_loop3A_55 : f32 to vector<16xf32>
      %parallel_loop3A_147 = arith.subf %parallel_loop3A_146, %parallel_loop3A_145 : vector<16xf32>
      %parallel_loop3A_148 = vector.broadcast %parallel_loop3A_56 : f32 to vector<16xf32>
      %parallel_loop3A_149 = arith.addf %parallel_loop3A_145, %parallel_loop3A_148 : vector<16xf32>
      %parallel_loop3A_150 = arith.subf %parallel_loop3A_149, %parallel_loop3A_142 : vector<16xf32>
      %parallel_loop3A_151 = arith.subf %parallel_loop3A_149, %parallel_loop3A_141 : vector<16xf32>
      %parallel_loop3A_152 = arith.subf %parallel_loop3A_149, %parallel_loop3A_140 : vector<16xf32>
      %parallel_loop3A_153 = arith.mulf %parallel_loop3A_147, %parallel_loop3A_147 : vector<16xf32>
      %parallel_loop3A_154 = arith.mulf %parallel_loop3A_153, %parallel_loop3A_153 : vector<16xf32>
      %parallel_loop3A_155 = arith.mulf %parallel_loop3A_154, %parallel_loop3A_154 : vector<16xf32>
      %parallel_loop3A_156 = arith.mulf %parallel_loop3A_155, %parallel_loop3A_147 : vector<16xf32>
      %parallel_loop3A_157 = vector.broadcast %parallel_loop3A_55 : f32 to vector<16xf32>
      %parallel_loop3A_158 = arith.subf %parallel_loop3A_157, %parallel_loop3A_156 : vector<16xf32>
      %parallel_loop3A_159 = arith.mulf %parallel_loop3A_139, %parallel_loop3A_158 : vector<16xf32>
      %parallel_loop3A_160 = arith.divf %parallel_loop3A_159, %parallel_loop3A_149 : vector<16xf32>
      %parallel_loop3A_161 = arith.divf %parallel_loop3A_159, %parallel_loop3A_150 : vector<16xf32>
      %parallel_loop3A_162 = arith.subf %parallel_loop3A_161, %parallel_loop3A_160 : vector<16xf32>
      %parallel_loop3A_163 = arith.divf %parallel_loop3A_159, %parallel_loop3A_151 : vector<16xf32>
      %parallel_loop3A_164 = arith.subf %parallel_loop3A_163, %parallel_loop3A_160 : vector<16xf32>
      %parallel_loop3A_165 = arith.divf %parallel_loop3A_159, %parallel_loop3A_152 : vector<16xf32>
      %parallel_loop3A_166 = arith.subf %parallel_loop3A_165, %parallel_loop3A_160 : vector<16xf32>
      %parallel_loop3A_167 = vector.broadcast %parallel_loop3A_55 : f32 to vector<16xf32>
      %parallel_loop3A_168 = arith.subf %parallel_loop3A_167, %parallel_loop3A_160 : vector<16xf32>
      %parallel_loop3A_169 = arith.subf %parallel_loop3A_168, %parallel_loop3A_162 : vector<16xf32>
      %parallel_loop3A_170 = arith.subf %parallel_loop3A_169, %parallel_loop3A_164 : vector<16xf32>
      %parallel_loop3A_171 = arith.subf %parallel_loop3A_170, %parallel_loop3A_166 : vector<16xf32>
      %parallel_loop3A_172 = arith.mulf %parallel_loop3A_162, %parallel_loop3A_115 : vector<16xf32>
      %parallel_loop3A_173 = arith.mulf %parallel_loop3A_164, %parallel_loop3A_117 : vector<16xf32>
      %parallel_loop3A_174 = arith.mulf %parallel_loop3A_115, %parallel_loop3A_117 : vector<16xf32>
      %parallel_loop3A_175 = arith.mulf %parallel_loop3A_171, %parallel_loop3A_174 : vector<16xf32>
      %parallel_loop3A_176 = arith.addf %parallel_loop3A_160, %parallel_loop3A_172 : vector<16xf32>
      %parallel_loop3A_177 = arith.addf %parallel_loop3A_173, %parallel_loop3A_173 : vector<16xf32>
      %parallel_loop3A_178 = arith.addf %parallel_loop3A_176, %parallel_loop3A_177 : vector<16xf32>
      %parallel_loop3A_179 = arith.addf %parallel_loop3A_178, %parallel_loop3A_175 : vector<16xf32>
      %parallel_loop3A_180 = arith.mulf %parallel_loop3A_114, %parallel_loop3A_179 : vector<16xf32>
      %parallel_loop3A_181 = arith.subf %parallel_loop3A_117, %parallel_loop3A_114 : vector<16xf32>
      %parallel_loop3A_182 = vector.broadcast %parallel_loop3A_55 : f32 to vector<16xf32>
      %parallel_loop3A_183 = arith.subf %parallel_loop3A_182, %parallel_loop3A_114 : vector<16xf32>
      %parallel_loop3A_184 = arith.addf %parallel_loop3A_160, %parallel_loop3A_172 : vector<16xf32>
      %parallel_loop3A_185 = arith.mulf %parallel_loop3A_184, %parallel_loop3A_181 : vector<16xf32>
      %parallel_loop3A_186 = arith.subf %parallel_loop3A_115, %parallel_loop3A_114 : vector<16xf32>
      %parallel_loop3A_187 = arith.mulf %parallel_loop3A_173, %parallel_loop3A_186 : vector<16xf32>
      %parallel_loop3A_188 = arith.addf %parallel_loop3A_185, %parallel_loop3A_187 : vector<16xf32>
      %parallel_loop3A_189 = arith.mulf %parallel_loop3A_166, %parallel_loop3A_117 : vector<16xf32>
      %parallel_loop3A_190 = arith.addf %parallel_loop3A_189, %parallel_loop3A_175 : vector<16xf32>
      %parallel_loop3A_191 = arith.mulf %parallel_loop3A_183, %parallel_loop3A_190 : vector<16xf32>
      %parallel_loop3A_192 = arith.addf %parallel_loop3A_188, %parallel_loop3A_191 : vector<16xf32>
      %parallel_loop3A_193 = arith.constant 0 : i32
      %parallel_loop3A_194 = arith.index_cast %parallel_loop3A_193 : i32 to index
      %parallel_loop3A_195 = arith.index_cast %parallel_loop3A_79 : i32 to index
      %parallel_loop3A_196 = tpu.vector_load %arg18[%parallel_loop3A_194, %parallel_loop3A_195] {strides = array<i32>} : memref<2x3840xf32, #tpu.memory_space<vmem>>, vector<16xf32>,
      tpu.vector_store %arg18[%parallel_loop3A_194, %parallel_loop3A_195], %parallel_loop3A_180 {strides = array<i32>} : memref<2x3840xf32, #tpu.memory_space<vmem>>, vector<16xf32>,
      %parallel_loop3A_197 = arith.constant 1 : i32
      %parallel_loop3A_198 = arith.index_cast %parallel_loop3A_197 : i32 to index
      %parallel_loop3A_199 = arith.index_cast %parallel_loop3A_79 : i32 to index
      %parallel_loop3A_200 = tpu.vector_load %arg18[%parallel_loop3A_198, %parallel_loop3A_199] {strides = array<i32>} : memref<2x3840xf32, #tpu.memory_space<vmem>>, vector<16xf32>,
      tpu.vector_store %arg18[%parallel_loop3A_198, %parallel_loop3A_199], %parallel_loop3A_192 {strides = array<i32>} : memref<2x3840xf32, #tpu.memory_space<vmem>>, vector<16xf32>,
    } {sc.loop_unroll_factor = 2 : i64, sc.parallel_access}
    "tpu.region"() ({
      %run_scoped3A = tpu.sem_alloc : memref<!tpu.dma_semaphore, #tpu.memory_space<semaphore_mem>>
      %dma_start3A_79 = arith.constant 0 : i32
      %dma_start3A_80 = tpu.memref_slice %arg8[%dma_start3A_79, %mul3A_2] : memref<2x242304xf32, #tpu.memory_space<hbm>> -> memref<2x3840xf32, #tpu.memory_space<hbm>>
      %dma_start3A_81 = arith.constant 0 : i32
      %dma_start3A_82 = tpu.memref_slice %arg8[%dma_start3A_81, %mul3A_2] : memref<2x242304xf32, #tpu.memory_space<hbm>> -> memref<2x3840xf32, #tpu.memory_space<hbm>>
      tpu.enqueue_dma source(%arg18 : memref<2x3840xf32, #tpu.memory_space<vmem>>) target(%dma_start3A_82 : memref<2x3840xf32, #tpu.memory_space<hbm>>) target_semaphore(%run_scoped3A : memref<!tpu.dma_semaphore, #tpu.memory_space<semaphore_mem>>)
      %dma_wait3A_83 = arith.constant 0 : i32
      %dma_wait3A_84 = tpu.memref_slice %arg8[%dma_wait3A_83, %mul3A_2] : memref<2x242304xf32, #tpu.memory_space<hbm>> -> memref<2x3840xf32, #tpu.memory_space<hbm>>
      %dma_wait3A_85 = arith.constant 0 : i32
      %dma_wait3A_86 = tpu.memref_slice %arg8[%dma_wait3A_85, %mul3A_2] : memref<2x242304xf32, #tpu.memory_space<hbm>> -> memref<2x3840xf32, #tpu.memory_space<hbm>>
      tpu.wait_dma2 semaphore(%run_scoped3A : memref<!tpu.dma_semaphore, #tpu.memory_space<semaphore_mem>>) src(%arg18 : memref<2x3840xf32, #tpu.memory_space<vmem>>) dst(%dma_wait3A_86 : memref<2x3840xf32, #tpu.memory_space<hbm>>)
      tpu.yield
    }) : () -> ()
    %not3A_57 = arith.constant true
    %not3A_58 = arith.xori %eq3A_3, %not3A_57 : i1
    %convert_element_type3A_59 = arith.extui %not3A_58 : i1 to i32
    %cond3A_60 = arith.constant 0 : i32
    %cond3A_61 = arith.cmpi ne, %convert_element_type3A_59, %cond3A_60 : i32
    scf.if %cond3A_61 {
      %dma_wait3A_79 = arith.constant 0 : i32
      %dma_wait3A_80 = tpu.memref_slice %arg3[%dma_wait3A_79, %add3A_14] : memref<3x242284xf32, #tpu.memory_space<hbm>> -> memref<3x3840xf32, #tpu.memory_space<hbm>>
      %dma_wait3A_81 = arith.constant 0 : i32
      %dma_wait3A_82 = tpu.memref_slice %arg3[%dma_wait3A_81, %add3A_14] : memref<3x242284xf32, #tpu.memory_space<hbm>> -> memref<3x3840xf32, #tpu.memory_space<hbm>>
      tpu.wait_dma2 semaphore(%arg20 : memref<!tpu.dma_semaphore, #tpu.memory_space<semaphore_mem>>) src(%dma_wait3A_82 : memref<3x3840xf32, #tpu.memory_space<hbm>>) dst(%arg11 : memref<3x3840xf32, #tpu.memory_space<vmem>>)
      %dma_wait3A_83 = tpu.memref_slice %arg5[%add3A_14] : memref<242284xi32, #tpu.memory_space<hbm>> -> memref<3840xi32, #tpu.memory_space<hbm>>
      %dma_wait3A_84 = tpu.memref_slice %arg5[%add3A_14] : memref<242284xi32, #tpu.memory_space<hbm>> -> memref<3840xi32, #tpu.memory_space<hbm>>
      tpu.wait_dma2 semaphore(%arg20 : memref<!tpu.dma_semaphore, #tpu.memory_space<semaphore_mem>>) src(%dma_wait3A_84 : memref<3840xi32, #tpu.memory_space<hbm>>) dst(%arg15 : memref<3840xi32, #tpu.memory_space<vmem>>)
      %dma_wait3A_85 = tpu.memref_slice %arg6[%add3A_14] : memref<242284xi32, #tpu.memory_space<hbm>> -> memref<3840xi32, #tpu.memory_space<hbm>>
      %dma_wait3A_86 = tpu.memref_slice %arg6[%add3A_14] : memref<242284xi32, #tpu.memory_space<hbm>> -> memref<3840xi32, #tpu.memory_space<hbm>>
      tpu.wait_dma2 semaphore(%arg20 : memref<!tpu.dma_semaphore, #tpu.memory_space<semaphore_mem>>) src(%dma_wait3A_86 : memref<3840xi32, #tpu.memory_space<hbm>>) dst(%arg16 : memref<3840xi32, #tpu.memory_space<vmem>>)
      %dma_wait3A_87 = tpu.memref_slice %arg7[%add3A_14] : memref<242284xi32, #tpu.memory_space<hbm>> -> memref<3840xi32, #tpu.memory_space<hbm>>
      %dma_wait3A_88 = tpu.memref_slice %arg7[%add3A_14] : memref<242284xi32, #tpu.memory_space<hbm>> -> memref<3840xi32, #tpu.memory_space<hbm>>
      tpu.wait_dma2 semaphore(%arg20 : memref<!tpu.dma_semaphore, #tpu.memory_space<semaphore_mem>>) src(%dma_wait3A_88 : memref<3840xi32, #tpu.memory_space<hbm>>) dst(%arg17 : memref<3840xi32, #tpu.memory_space<vmem>>)
    } else {
    }
    %convert_element_type3A_62 = arith.extui %eq3A_3 : i1 to i32
    %cond3A_63 = arith.constant 0 : i32
    %cond3A_64 = arith.cmpi ne, %convert_element_type3A_62, %cond3A_63 : i32
    scf.if %cond3A_64 {
      %dma_wait3A_79 = arith.constant 0 : i32
      %dma_wait3A_80 = arith.constant 0 : i32
      %dma_wait3A_81 = tpu.memref_slice %arg11[%dma_wait3A_79, %dma_wait3A_80] : memref<3x3840xf32, #tpu.memory_space<vmem>> -> memref<3x256xf32, #tpu.memory_space<vmem>>
      %dma_wait3A_82 = arith.constant 0 : i32
      %dma_wait3A_83 = arith.constant 241920 : i32
      %dma_wait3A_84 = tpu.memref_slice %arg3[%dma_wait3A_82, %dma_wait3A_83] : memref<3x242284xf32, #tpu.memory_space<hbm>> -> memref<3x256xf32, #tpu.memory_space<hbm>>
      %dma_wait3A_85 = arith.constant 0 : i32
      %dma_wait3A_86 = arith.constant 0 : i32
      %dma_wait3A_87 = tpu.memref_slice %arg11[%dma_wait3A_85, %dma_wait3A_86] : memref<3x3840xf32, #tpu.memory_space<vmem>> -> memref<3x256xf32, #tpu.memory_space<vmem>>
      %dma_wait3A_88 = arith.constant 0 : i32
      %dma_wait3A_89 = arith.constant 241920 : i32
      %dma_wait3A_90 = tpu.memref_slice %arg3[%dma_wait3A_88, %dma_wait3A_89] : memref<3x242284xf32, #tpu.memory_space<hbm>> -> memref<3x256xf32, #tpu.memory_space<hbm>>
      tpu.wait_dma2 semaphore(%arg20 : memref<!tpu.dma_semaphore, #tpu.memory_space<semaphore_mem>>) src(%dma_wait3A_90 : memref<3x256xf32, #tpu.memory_space<hbm>>) dst(%dma_wait3A_87 : memref<3x256xf32, #tpu.memory_space<vmem>>)
      %dma_wait3A_91 = arith.constant 0 : i32
      %dma_wait3A_92 = arith.constant 256 : i32
      %dma_wait3A_93 = tpu.memref_slice %arg11[%dma_wait3A_91, %dma_wait3A_92] : memref<3x3840xf32, #tpu.memory_space<vmem>> -> memref<3x128xf32, #tpu.memory_space<vmem>>
      %dma_wait3A_94 = arith.constant 0 : i32
      %dma_wait3A_95 = arith.constant 256 : i32
      %dma_wait3A_96 = tpu.memref_slice %arg11[%dma_wait3A_94, %dma_wait3A_95] : memref<3x3840xf32, #tpu.memory_space<vmem>> -> memref<3x128xf32, #tpu.memory_space<vmem>>
      tpu.wait_dma2 semaphore(%arg20 : memref<!tpu.dma_semaphore, #tpu.memory_space<semaphore_mem>>) src(%arg4 : memref<3x128xf32, #tpu.memory_space<hbm>>) dst(%dma_wait3A_96 : memref<3x128xf32, #tpu.memory_space<vmem>>)
      %dma_wait3A_97 = arith.constant 0 : i32
      %dma_wait3A_98 = tpu.memref_slice %arg15[%dma_wait3A_97] : memref<3840xi32, #tpu.memory_space<vmem>> -> memref<364xi32, #tpu.memory_space<vmem>>
      %dma_wait3A_99 = arith.constant 241920 : i32
      %dma_wait3A_100 = tpu.memref_slice %arg5[%dma_wait3A_99] : memref<242284xi32, #tpu.memory_space<hbm>> -> memref<364xi32, #tpu.memory_space<hbm>>
      %dma_wait3A_101 = arith.constant 0 : i32
      %dma_wait3A_102 = tpu.memref_slice %arg15[%dma_wait3A_101] : memref<3840xi32, #tpu.memory_space<vmem>> -> memref<364xi32, #tpu.memory_space<vmem>>
      %dma_wait3A_103 = arith.constant 241920 : i32
      %dma_wait3A_104 = tpu.memref_slice %arg5[%dma_wait3A_103] : memref<242284xi32, #tpu.memory_space<hbm>> -> memref<364xi32, #tpu.memory_space<hbm>>
      tpu.wait_dma2 semaphore(%arg20 : memref<!tpu.dma_semaphore, #tpu.memory_space<semaphore_mem>>) src(%dma_wait3A_104 : memref<364xi32, #tpu.memory_space<hbm>>) dst(%dma_wait3A_102 : memref<364xi32, #tpu.memory_space<vmem>>)
      %dma_wait3A_105 = arith.constant 0 : i32
      %dma_wait3A_106 = tpu.memref_slice %arg16[%dma_wait3A_105] : memref<3840xi32, #tpu.memory_space<vmem>> -> memref<364xi32, #tpu.memory_space<vmem>>
      %dma_wait3A_107 = arith.constant 241920 : i32
      %dma_wait3A_108 = tpu.memref_slice %arg6[%dma_wait3A_107] : memref<242284xi32, #tpu.memory_space<hbm>> -> memref<364xi32, #tpu.memory_space<hbm>>
      %dma_wait3A_109 = arith.constant 0 : i32
      %dma_wait3A_110 = tpu.memref_slice %arg16[%dma_wait3A_109] : memref<3840xi32, #tpu.memory_space<vmem>> -> memref<364xi32, #tpu.memory_space<vmem>>
      %dma_wait3A_111 = arith.constant 241920 : i32
      %dma_wait3A_112 = tpu.memref_slice %arg6[%dma_wait3A_111] : memref<242284xi32, #tpu.memory_space<hbm>> -> memref<364xi32, #tpu.memory_space<hbm>>
      tpu.wait_dma2 semaphore(%arg20 : memref<!tpu.dma_semaphore, #tpu.memory_space<semaphore_mem>>) src(%dma_wait3A_112 : memref<364xi32, #tpu.memory_space<hbm>>) dst(%dma_wait3A_110 : memref<364xi32, #tpu.memory_space<vmem>>)
      %dma_wait3A_113 = arith.constant 0 : i32
      %dma_wait3A_114 = tpu.memref_slice %arg17[%dma_wait3A_113] : memref<3840xi32, #tpu.memory_space<vmem>> -> memref<364xi32, #tpu.memory_space<vmem>>
      %dma_wait3A_115 = arith.constant 241920 : i32
      %dma_wait3A_116 = tpu.memref_slice %arg7[%dma_wait3A_115] : memref<242284xi32, #tpu.memory_space<hbm>> -> memref<364xi32, #tpu.memory_space<hbm>>
      %dma_wait3A_117 = arith.constant 0 : i32
      %dma_wait3A_118 = tpu.memref_slice %arg17[%dma_wait3A_117] : memref<3840xi32, #tpu.memory_space<vmem>> -> memref<364xi32, #tpu.memory_space<vmem>>
      %dma_wait3A_119 = arith.constant 241920 : i32
      %dma_wait3A_120 = tpu.memref_slice %arg7[%dma_wait3A_119] : memref<242284xi32, #tpu.memory_space<hbm>> -> memref<364xi32, #tpu.memory_space<hbm>>
      tpu.wait_dma2 semaphore(%arg20 : memref<!tpu.dma_semaphore, #tpu.memory_space<semaphore_mem>>) src(%dma_wait3A_120 : memref<364xi32, #tpu.memory_space<hbm>>) dst(%dma_wait3A_118 : memref<364xi32, #tpu.memory_space<vmem>>)
    } else {
    }
    %parallel_loop3A_65 = arith.constant 0 : i32
    %parallel_loop3A_66 = arith.constant 3840 : i32
    %parallel_loop3A_67 = arith.constant 16 : i32
    %parallel_loop3A_68 = arith.constant 31 : i32
    %parallel_loop3A_69 = arith.constant 1.000000e+00 : f32
    %parallel_loop3A_70 = arith.constant 9.99999993E-9 : f32
    scf.for %parallel_loop3A_79 = %parallel_loop3A_65 to %parallel_loop3A_66 step %parallel_loop3A_67  : i32 {
      %parallel_loop3A_80 = arith.constant 0 : i32
      %parallel_loop3A_81 = arith.index_cast %parallel_loop3A_80 : i32 to index
      %parallel_loop3A_82 = arith.index_cast %parallel_loop3A_79 : i32 to index
      %parallel_loop3A_83 = tpu.vector_load %arg11[%parallel_loop3A_81, %parallel_loop3A_82] {strides = array<i32>} : memref<3x3840xf32, #tpu.memory_space<vmem>>, vector<16xf32>,
      %parallel_loop3A_84 = arith.constant 1 : i32
      %parallel_loop3A_85 = arith.index_cast %parallel_loop3A_84 : i32 to index
      %parallel_loop3A_86 = arith.index_cast %parallel_loop3A_79 : i32 to index
      %parallel_loop3A_87 = tpu.vector_load %arg11[%parallel_loop3A_85, %parallel_loop3A_86] {strides = array<i32>} : memref<3x3840xf32, #tpu.memory_space<vmem>>, vector<16xf32>,
      %parallel_loop3A_88 = arith.constant 2 : i32
      %parallel_loop3A_89 = arith.index_cast %parallel_loop3A_88 : i32 to index
      %parallel_loop3A_90 = arith.index_cast %parallel_loop3A_79 : i32 to index
      %parallel_loop3A_91 = tpu.vector_load %arg11[%parallel_loop3A_89, %parallel_loop3A_90] {strides = array<i32>} : memref<3x3840xf32, #tpu.memory_space<vmem>>, vector<16xf32>,
      %parallel_loop3A_92 = arith.index_cast %parallel_loop3A_79 : i32 to index
      %parallel_loop3A_93 = tpu.vector_load %arg15[%parallel_loop3A_92] {strides = array<i32>} : memref<3840xi32, #tpu.memory_space<vmem>>, vector<16xi32>,
      %parallel_loop3A_94 = vector.broadcast %parallel_loop3A_68 : i32 to vector<16xi32>
      %parallel_loop3A_95 = arith.andi %parallel_loop3A_93, %parallel_loop3A_94 : vector<16xi32>
      %parallel_loop3A_96 = arith.index_cast %parallel_loop3A_79 : i32 to index
      %parallel_loop3A_97 = tpu.vector_load %arg16[%parallel_loop3A_96] {strides = array<i32>} : memref<3840xi32, #tpu.memory_space<vmem>>, vector<16xi32>,
      %parallel_loop3A_98 = vector.broadcast %parallel_loop3A_68 : i32 to vector<16xi32>
      %parallel_loop3A_99 = arith.andi %parallel_loop3A_97, %parallel_loop3A_98 : vector<16xi32>
      %parallel_loop3A_100 = arith.index_cast %parallel_loop3A_79 : i32 to index
      %parallel_loop3A_101 = tpu.vector_load %arg17[%parallel_loop3A_100] {strides = array<i32>} : memref<3840xi32, #tpu.memory_space<vmem>>, vector<16xi32>,
      %parallel_loop3A_102 = vector.broadcast %parallel_loop3A_68 : i32 to vector<16xi32>
      %parallel_loop3A_103 = arith.andi %parallel_loop3A_101, %parallel_loop3A_102 : vector<16xi32>
      %parallel_loop3A_104 = tpu.vector_load_idx %arg9[%parallel_loop3A_103] : memref<32xf32, #tpu.memory_space<vmem>>[vector<16xi32>], vector<16xf32>,
      %parallel_loop3A_105 = tpu.vector_load_idx %arg9[%parallel_loop3A_99] : memref<32xf32, #tpu.memory_space<vmem>>[vector<16xi32>], vector<16xf32>,
      %parallel_loop3A_106 = tpu.vector_load_idx %arg9[%parallel_loop3A_95] : memref<32xf32, #tpu.memory_space<vmem>>[vector<16xi32>], vector<16xf32>,
      %parallel_loop3A_107 = arith.cmpf ole, %parallel_loop3A_83, %parallel_loop3A_87 : vector<16xf32>
      %parallel_loop3A_108 = arith.cmpf ole, %parallel_loop3A_83, %parallel_loop3A_91 : vector<16xf32>
      %parallel_loop3A_109 = arith.cmpf ole, %parallel_loop3A_87, %parallel_loop3A_91 : vector<16xf32>
      %parallel_loop3A_110 = arith.constant dense<true> : vector<16xi1>
      %parallel_loop3A_111 = arith.xori %parallel_loop3A_107, %parallel_loop3A_110 : vector<16xi1>
      %parallel_loop3A_112 = arith.minimumf %parallel_loop3A_83, %parallel_loop3A_87 : vector<16xf32>
      %parallel_loop3A_113 = arith.maximumf %parallel_loop3A_83, %parallel_loop3A_87 : vector<16xf32>
      %parallel_loop3A_114 = arith.minimumf %parallel_loop3A_112, %parallel_loop3A_91 : vector<16xf32>
      %parallel_loop3A_115 = arith.maximumf %parallel_loop3A_113, %parallel_loop3A_91 : vector<16xf32>
      %parallel_loop3A_116 = arith.minimumf %parallel_loop3A_113, %parallel_loop3A_91 : vector<16xf32>
      %parallel_loop3A_117 = arith.maximumf %parallel_loop3A_112, %parallel_loop3A_116 : vector<16xf32>
      %parallel_loop3A_118 = arith.andi %parallel_loop3A_107, %parallel_loop3A_108 : vector<16xi1>
      %parallel_loop3A_119 = arith.andi %parallel_loop3A_111, %parallel_loop3A_109 : vector<16xi1>
      %parallel_loop3A_120 = arith.ori %parallel_loop3A_107, %parallel_loop3A_108 : vector<16xi1>
      %parallel_loop3A_121 = arith.constant dense<true> : vector<16xi1>
      %parallel_loop3A_122 = arith.xori %parallel_loop3A_120, %parallel_loop3A_121 : vector<16xi1>
      %parallel_loop3A_123 = arith.constant dense<true> : vector<16xi1>
      %parallel_loop3A_124 = arith.xori %parallel_loop3A_109, %parallel_loop3A_123 : vector<16xi1>
      %parallel_loop3A_125 = arith.andi %parallel_loop3A_107, %parallel_loop3A_124 : vector<16xi1>
      %parallel_loop3A_126 = arith.xori %parallel_loop3A_107, %parallel_loop3A_108 : vector<16xi1>
      %parallel_loop3A_127 = arith.xori %parallel_loop3A_107, %parallel_loop3A_109 : vector<16xi1>
      %parallel_loop3A_128 = arith.constant dense<true> : vector<16xi1>
      %parallel_loop3A_129 = arith.xori %parallel_loop3A_127, %parallel_loop3A_128 : vector<16xi1>
      %parallel_loop3A_130 = arith.select %parallel_loop3A_119, %parallel_loop3A_105, %parallel_loop3A_106 : vector<16xi1>, vector<16xf32>
      %parallel_loop3A_131 = arith.select %parallel_loop3A_118, %parallel_loop3A_104, %parallel_loop3A_130 : vector<16xi1>, vector<16xf32>
      %parallel_loop3A_132 = arith.select %parallel_loop3A_129, %parallel_loop3A_105, %parallel_loop3A_106 : vector<16xi1>, vector<16xf32>
      %parallel_loop3A_133 = arith.select %parallel_loop3A_126, %parallel_loop3A_104, %parallel_loop3A_132 : vector<16xi1>, vector<16xf32>
      %parallel_loop3A_134 = arith.select %parallel_loop3A_125, %parallel_loop3A_105, %parallel_loop3A_106 : vector<16xi1>, vector<16xf32>
      %parallel_loop3A_135 = arith.select %parallel_loop3A_122, %parallel_loop3A_104, %parallel_loop3A_134 : vector<16xi1>, vector<16xf32>
      %parallel_loop3A_136 = arith.mulf %parallel_loop3A_133, %parallel_loop3A_135 : vector<16xf32>
      %parallel_loop3A_137 = arith.mulf %parallel_loop3A_131, %parallel_loop3A_135 : vector<16xf32>
      %parallel_loop3A_138 = arith.mulf %parallel_loop3A_131, %parallel_loop3A_133 : vector<16xf32>
      %parallel_loop3A_139 = arith.mulf %parallel_loop3A_131, %parallel_loop3A_136 : vector<16xf32>
      %parallel_loop3A_140 = arith.subf %parallel_loop3A_136, %parallel_loop3A_139 : vector<16xf32>
      %parallel_loop3A_141 = arith.subf %parallel_loop3A_137, %parallel_loop3A_139 : vector<16xf32>
      %parallel_loop3A_142 = arith.subf %parallel_loop3A_138, %parallel_loop3A_139 : vector<16xf32>
      %parallel_loop3A_143 = arith.addf %parallel_loop3A_139, %parallel_loop3A_140 : vector<16xf32>
      %parallel_loop3A_144 = arith.addf %parallel_loop3A_143, %parallel_loop3A_141 : vector<16xf32>
      %parallel_loop3A_145 = arith.addf %parallel_loop3A_144, %parallel_loop3A_142 : vector<16xf32>
      %parallel_loop3A_146 = vector.broadcast %parallel_loop3A_69 : f32 to vector<16xf32>
      %parallel_loop3A_147 = arith.subf %parallel_loop3A_146, %parallel_loop3A_145 : vector<16xf32>
      %parallel_loop3A_148 = vector.broadcast %parallel_loop3A_70 : f32 to vector<16xf32>
      %parallel_loop3A_149 = arith.addf %parallel_loop3A_145, %parallel_loop3A_148 : vector<16xf32>
      %parallel_loop3A_150 = arith.subf %parallel_loop3A_149, %parallel_loop3A_142 : vector<16xf32>
      %parallel_loop3A_151 = arith.subf %parallel_loop3A_149, %parallel_loop3A_141 : vector<16xf32>
      %parallel_loop3A_152 = arith.subf %parallel_loop3A_149, %parallel_loop3A_140 : vector<16xf32>
      %parallel_loop3A_153 = arith.mulf %parallel_loop3A_147, %parallel_loop3A_147 : vector<16xf32>
      %parallel_loop3A_154 = arith.mulf %parallel_loop3A_153, %parallel_loop3A_153 : vector<16xf32>
      %parallel_loop3A_155 = arith.mulf %parallel_loop3A_154, %parallel_loop3A_154 : vector<16xf32>
      %parallel_loop3A_156 = arith.mulf %parallel_loop3A_155, %parallel_loop3A_147 : vector<16xf32>
      %parallel_loop3A_157 = vector.broadcast %parallel_loop3A_69 : f32 to vector<16xf32>
      %parallel_loop3A_158 = arith.subf %parallel_loop3A_157, %parallel_loop3A_156 : vector<16xf32>
      %parallel_loop3A_159 = arith.mulf %parallel_loop3A_139, %parallel_loop3A_158 : vector<16xf32>
      %parallel_loop3A_160 = arith.divf %parallel_loop3A_159, %parallel_loop3A_149 : vector<16xf32>
      %parallel_loop3A_161 = arith.divf %parallel_loop3A_159, %parallel_loop3A_150 : vector<16xf32>
      %parallel_loop3A_162 = arith.subf %parallel_loop3A_161, %parallel_loop3A_160 : vector<16xf32>
      %parallel_loop3A_163 = arith.divf %parallel_loop3A_159, %parallel_loop3A_151 : vector<16xf32>
      %parallel_loop3A_164 = arith.subf %parallel_loop3A_163, %parallel_loop3A_160 : vector<16xf32>
      %parallel_loop3A_165 = arith.divf %parallel_loop3A_159, %parallel_loop3A_152 : vector<16xf32>
      %parallel_loop3A_166 = arith.subf %parallel_loop3A_165, %parallel_loop3A_160 : vector<16xf32>
      %parallel_loop3A_167 = vector.broadcast %parallel_loop3A_69 : f32 to vector<16xf32>
      %parallel_loop3A_168 = arith.subf %parallel_loop3A_167, %parallel_loop3A_160 : vector<16xf32>
      %parallel_loop3A_169 = arith.subf %parallel_loop3A_168, %parallel_loop3A_162 : vector<16xf32>
      %parallel_loop3A_170 = arith.subf %parallel_loop3A_169, %parallel_loop3A_164 : vector<16xf32>
      %parallel_loop3A_171 = arith.subf %parallel_loop3A_170, %parallel_loop3A_166 : vector<16xf32>
      %parallel_loop3A_172 = arith.mulf %parallel_loop3A_162, %parallel_loop3A_115 : vector<16xf32>
      %parallel_loop3A_173 = arith.mulf %parallel_loop3A_164, %parallel_loop3A_117 : vector<16xf32>
      %parallel_loop3A_174 = arith.mulf %parallel_loop3A_115, %parallel_loop3A_117 : vector<16xf32>
      %parallel_loop3A_175 = arith.mulf %parallel_loop3A_171, %parallel_loop3A_174 : vector<16xf32>
      %parallel_loop3A_176 = arith.addf %parallel_loop3A_160, %parallel_loop3A_172 : vector<16xf32>
      %parallel_loop3A_177 = arith.addf %parallel_loop3A_173, %parallel_loop3A_173 : vector<16xf32>
      %parallel_loop3A_178 = arith.addf %parallel_loop3A_176, %parallel_loop3A_177 : vector<16xf32>
      %parallel_loop3A_179 = arith.addf %parallel_loop3A_178, %parallel_loop3A_175 : vector<16xf32>
      %parallel_loop3A_180 = arith.mulf %parallel_loop3A_114, %parallel_loop3A_179 : vector<16xf32>
      %parallel_loop3A_181 = arith.subf %parallel_loop3A_117, %parallel_loop3A_114 : vector<16xf32>
      %parallel_loop3A_182 = vector.broadcast %parallel_loop3A_69 : f32 to vector<16xf32>
      %parallel_loop3A_183 = arith.subf %parallel_loop3A_182, %parallel_loop3A_114 : vector<16xf32>
      %parallel_loop3A_184 = arith.addf %parallel_loop3A_160, %parallel_loop3A_172 : vector<16xf32>
      %parallel_loop3A_185 = arith.mulf %parallel_loop3A_184, %parallel_loop3A_181 : vector<16xf32>
      %parallel_loop3A_186 = arith.subf %parallel_loop3A_115, %parallel_loop3A_114 : vector<16xf32>
      %parallel_loop3A_187 = arith.mulf %parallel_loop3A_173, %parallel_loop3A_186 : vector<16xf32>
      %parallel_loop3A_188 = arith.addf %parallel_loop3A_185, %parallel_loop3A_187 : vector<16xf32>
      %parallel_loop3A_189 = arith.mulf %parallel_loop3A_166, %parallel_loop3A_117 : vector<16xf32>
      %parallel_loop3A_190 = arith.addf %parallel_loop3A_189, %parallel_loop3A_175 : vector<16xf32>
      %parallel_loop3A_191 = arith.mulf %parallel_loop3A_183, %parallel_loop3A_190 : vector<16xf32>
      %parallel_loop3A_192 = arith.addf %parallel_loop3A_188, %parallel_loop3A_191 : vector<16xf32>
      %parallel_loop3A_193 = arith.constant 0 : i32
      %parallel_loop3A_194 = arith.index_cast %parallel_loop3A_193 : i32 to index
      %parallel_loop3A_195 = arith.index_cast %parallel_loop3A_79 : i32 to index
      %parallel_loop3A_196 = tpu.vector_load %arg18[%parallel_loop3A_194, %parallel_loop3A_195] {strides = array<i32>} : memref<2x3840xf32, #tpu.memory_space<vmem>>, vector<16xf32>,
      tpu.vector_store %arg18[%parallel_loop3A_194, %parallel_loop3A_195], %parallel_loop3A_180 {strides = array<i32>} : memref<2x3840xf32, #tpu.memory_space<vmem>>, vector<16xf32>,
      %parallel_loop3A_197 = arith.constant 1 : i32
      %parallel_loop3A_198 = arith.index_cast %parallel_loop3A_197 : i32 to index
      %parallel_loop3A_199 = arith.index_cast %parallel_loop3A_79 : i32 to index
      %parallel_loop3A_200 = tpu.vector_load %arg18[%parallel_loop3A_198, %parallel_loop3A_199] {strides = array<i32>} : memref<2x3840xf32, #tpu.memory_space<vmem>>, vector<16xf32>,
      tpu.vector_store %arg18[%parallel_loop3A_198, %parallel_loop3A_199], %parallel_loop3A_192 {strides = array<i32>} : memref<2x3840xf32, #tpu.memory_space<vmem>>, vector<16xf32>,
    } {sc.loop_unroll_factor = 2 : i64, sc.parallel_access}
    %not3A_71 = arith.constant true
    %not3A_72 = arith.xori %eq3A_3, %not3A_71 : i1
    %convert_element_type3A_73 = arith.extui %not3A_72 : i1 to i32
    %cond3A_74 = arith.constant 0 : i32
    %cond3A_75 = arith.cmpi ne, %convert_element_type3A_73, %cond3A_74 : i32
    scf.if %cond3A_75 {
      "tpu.region"() ({
        %run_scoped3A = tpu.sem_alloc : memref<!tpu.dma_semaphore, #tpu.memory_space<semaphore_mem>>
        %dma_start3A_79 = arith.constant 0 : i32
        %dma_start3A_80 = tpu.memref_slice %arg8[%dma_start3A_79, %add3A_14] : memref<2x242304xf32, #tpu.memory_space<hbm>> -> memref<2x3840xf32, #tpu.memory_space<hbm>>
        %dma_start3A_81 = arith.constant 0 : i32
        %dma_start3A_82 = tpu.memref_slice %arg8[%dma_start3A_81, %add3A_14] : memref<2x242304xf32, #tpu.memory_space<hbm>> -> memref<2x3840xf32, #tpu.memory_space<hbm>>
        tpu.enqueue_dma source(%arg18 : memref<2x3840xf32, #tpu.memory_space<vmem>>) target(%dma_start3A_82 : memref<2x3840xf32, #tpu.memory_space<hbm>>) target_semaphore(%run_scoped3A : memref<!tpu.dma_semaphore, #tpu.memory_space<semaphore_mem>>)
        %dma_wait3A_83 = arith.constant 0 : i32
        %dma_wait3A_84 = tpu.memref_slice %arg8[%dma_wait3A_83, %add3A_14] : memref<2x242304xf32, #tpu.memory_space<hbm>> -> memref<2x3840xf32, #tpu.memory_space<hbm>>
        %dma_wait3A_85 = arith.constant 0 : i32
        %dma_wait3A_86 = tpu.memref_slice %arg8[%dma_wait3A_85, %add3A_14] : memref<2x242304xf32, #tpu.memory_space<hbm>> -> memref<2x3840xf32, #tpu.memory_space<hbm>>
        tpu.wait_dma2 semaphore(%run_scoped3A : memref<!tpu.dma_semaphore, #tpu.memory_space<semaphore_mem>>) src(%arg18 : memref<2x3840xf32, #tpu.memory_space<vmem>>) dst(%dma_wait3A_86 : memref<2x3840xf32, #tpu.memory_space<hbm>>)
        tpu.yield
      }) : () -> ()
    } else {
    }
    %convert_element_type3A_76 = arith.extui %eq3A_3 : i1 to i32
    %cond3A_77 = arith.constant 0 : i32
    %cond3A_78 = arith.cmpi ne, %convert_element_type3A_76, %cond3A_77 : i32
    scf.if %cond3A_78 {
      "tpu.region"() ({
        %run_scoped3A = tpu.sem_alloc : memref<!tpu.dma_semaphore, #tpu.memory_space<semaphore_mem>>
        %dma_start3A_79 = arith.constant 0 : i32
        %dma_start3A_80 = arith.constant 0 : i32
        %dma_start3A_81 = tpu.memref_slice %arg18[%dma_start3A_79, %dma_start3A_80] : memref<2x3840xf32, #tpu.memory_space<vmem>> -> memref<2x384xf32, #tpu.memory_space<vmem>>
        %dma_start3A_82 = arith.constant 0 : i32
        %dma_start3A_83 = arith.constant 241920 : i32
        %dma_start3A_84 = tpu.memref_slice %arg8[%dma_start3A_82, %dma_start3A_83] : memref<2x242304xf32, #tpu.memory_space<hbm>> -> memref<2x384xf32, #tpu.memory_space<hbm>>
        %dma_start3A_85 = arith.constant 0 : i32
        %dma_start3A_86 = arith.constant 241920 : i32
        %dma_start3A_87 = tpu.memref_slice %arg8[%dma_start3A_85, %dma_start3A_86] : memref<2x242304xf32, #tpu.memory_space<hbm>> -> memref<2x384xf32, #tpu.memory_space<hbm>>
        %dma_start3A_88 = arith.constant 0 : i32
        %dma_start3A_89 = arith.constant 0 : i32
        %dma_start3A_90 = tpu.memref_slice %arg18[%dma_start3A_88, %dma_start3A_89] : memref<2x3840xf32, #tpu.memory_space<vmem>> -> memref<2x384xf32, #tpu.memory_space<vmem>>
        tpu.enqueue_dma source(%dma_start3A_90 : memref<2x384xf32, #tpu.memory_space<vmem>>) target(%dma_start3A_87 : memref<2x384xf32, #tpu.memory_space<hbm>>) target_semaphore(%run_scoped3A : memref<!tpu.dma_semaphore, #tpu.memory_space<semaphore_mem>>)
        %dma_wait3A_91 = arith.constant 0 : i32
        %dma_wait3A_92 = arith.constant 0 : i32
        %dma_wait3A_93 = tpu.memref_slice %arg18[%dma_wait3A_91, %dma_wait3A_92] : memref<2x3840xf32, #tpu.memory_space<vmem>> -> memref<2x384xf32, #tpu.memory_space<vmem>>
        %dma_wait3A_94 = arith.constant 0 : i32
        %dma_wait3A_95 = arith.constant 241920 : i32
        %dma_wait3A_96 = tpu.memref_slice %arg8[%dma_wait3A_94, %dma_wait3A_95] : memref<2x242304xf32, #tpu.memory_space<hbm>> -> memref<2x384xf32, #tpu.memory_space<hbm>>
        %dma_wait3A_97 = arith.constant 0 : i32
        %dma_wait3A_98 = arith.constant 241920 : i32
        %dma_wait3A_99 = tpu.memref_slice %arg8[%dma_wait3A_97, %dma_wait3A_98] : memref<2x242304xf32, #tpu.memory_space<hbm>> -> memref<2x384xf32, #tpu.memory_space<hbm>>
        %dma_wait3A_100 = arith.constant 0 : i32
        %dma_wait3A_101 = arith.constant 0 : i32
        %dma_wait3A_102 = tpu.memref_slice %arg18[%dma_wait3A_100, %dma_wait3A_101] : memref<2x3840xf32, #tpu.memory_space<vmem>> -> memref<2x384xf32, #tpu.memory_space<vmem>>
        tpu.wait_dma2 semaphore(%run_scoped3A : memref<!tpu.dma_semaphore, #tpu.memory_space<semaphore_mem>>) src(%dma_wait3A_102 : memref<2x384xf32, #tpu.memory_space<vmem>>) dst(%dma_wait3A_99 : memref<2x384xf32, #tpu.memory_space<hbm>>)
        tpu.yield
      }) : () -> ()
    } else {
    }
    return
  }
}

</mosaic_0001>

<sc_bundles>
// kernel: kernel.3.cloned.1.call-start
scs
__scs_entry_jumppad:
0x0: {  	(pc) =	sbr.rel $0x88, $3  }
0x1: {  	(tag) =	ssettag $0x0;
	lr =	simm.s32 $0x1  }
0x2: {  	[smem:$0x3F9C] =	sst lr;
	_ =	strace $0xD0000000  }
0x3: {  	_ = 	snop  }
0x4: {  	_ = 	snop  }
0x5: {  	_ = 	snop  }
0x6: {  	_ = 	snop  }
0x7: {  	_ = 	snop  }
__scs_overlays_trampoline_lowered:
0x8: {  	[smem:$0x3FAB] =	sst s0  }
0x9: {  	[smem:$0x3FAC] =	sst s1  }
0xa: {  	[smem:$0x3FAD] =	sst s2  }
0xb: {  	[smem:$0x3FAE] =	sst s3  }
0xc: {  	[smem:$0x3FAF] =	sst s4  }
0xd: {  	[smem:$0x3FB0] =	sst s5  }
0xe: {  	[smem:$0x3FB1] =	sst s6  }
0xf: {  	[smem:$0x3FB2] =	sst s7  }
0x10: {  	[smem:$0x3FB3] =	sst s8  }
0x11: {  	[smem:$0x3FB4] =	sst s9;
	s0 =	simm.s32 @!p0 $0x0  }
0x12: {  	s1 =	sld [smem:$0x3F9A];
	s0 =	simm.s32 @p0 $0x1  }
0x13: {  	[smem:$0x3FB5] =	sst s0;
	s0 =	simm.s32 @!p1 $0x0  }
0x14: {  	s2 =	sld [smem:$0x3F99];
	s0 =	simm.s32 @p1 $0x1  }
0x15: {  	[smem:$0x3FB6] =	sst s0;
	s0 =	simm.s32 @!p2 $0x0  }
0x16: {  	s3 =	sld [smem:$0x3FDB];
	s0 =	simm.s32 @p2 $0x1  }
0x17: {  	s4 =	simm.s32 $0x1BF5;
	[smem:$0x3FB8] =	sst s0  }
0x18: {  	s0 =	sld [smem:$0x3F9B];
	_ =	swait.ge [sflag:s4], $0x0  }
0x19: {  	s7 =	sld [smem:$0x3F9C]  }
0x1a: {  	s8 =	sadd.s32 $0xFFFFE003, lr  }
0x1b: {  	s9 =	sadd.s32 $0xFFFFFEF7, lr;
	s5 =	simm.s32 $0xFFFFFFFF;
	p2 =	slt.u32 s8, $0xFFFFF086  }
0x1c: {  	p1 =	slt.u32 s9, $0xF7A;
	s5 =	simm.s32 @!p2 $0x0  }
0x1d: {  	s5 =	simm.s32 @p1 $0x1;
	p0 =	seq.s32 s7, s2  }
0x1e: {  	s7 =	smul.u32 @!p0 $0xF7A, s2;
	p2 =	seq.s32 @!p0 s5, $0x0  }
0x1f: {  	s9 =	smul.u32 $0xF7A, s1;
	s8 =	simm.s32 @!p0 $0x1BF5;
	p2 =	por !p2, p0  }
0x20: {  	[sflag:s8] =	ssyncset.s32 @!p0 $0xFFFFF086;
	s6 =	sadd.s32 @!p0 s3, s7;
	s7 =	simm.s32 @!p0 $0x108  }
0x21: {  	s3 =	sadd.s32 s3, s9;
	s6 =	sadd.s32 @!p0 $0x88, s6;
	s7 =	simm.s32 @p2 $0x1082  }
0x22: {  	[simem:s7], [sflag:s8] =	dma.local @!p0 [hbm:s6], $0xF7A  }
0x23: {  	s9 =	sor.u32 $0xD0000000, s2;
	s6 =	simm.s32 $0x108;
	_ =	swait.ge @!p0 [sflag:s8], $0x0  }
0x24: {  	s3 =	sadd.s32 $0x88, s3;
	s6 =	simm.s32 @!p1 $0x1082;
	[sflag:s4] =	ssyncset.s32 $0xFFFFF086  }
0x25: {  	[simem:s6], [sflag:s4] =	dma.local [hbm:s3], $0xF7A  }
0x26: {  	[smem:$0x3F9C] =	sst s1;
	(tag) =	ssettag s2;
	_ =	strace s9  }
0x27: {  	s1 =	sld [smem:$0x3FAC]  }
0x28: {  	s2 =	sld [smem:$0x3FAD]  }
0x29: {  	s4 =	sld [smem:$0x3FAF]  }
0x2a: {  	p0 =	seq.s32 s5, $0x0;
	s5 =	sld [smem:$0x3FB0]  }
0x2b: {  	s6 =	sld [smem:$0x3FB1]  }
0x2c: {  	s7 =	sld [smem:$0x3FB2]  }
0x2d: {  	s3 =	simm.s32 $0x108;
	s8 =	sld [smem:$0x3FB3]  }
0x2e: {  	s3 =	simm.s32 @!p0 $0x1082;
	s9 =	sld [smem:$0x3FB4]  }
0x2f: {  	lr =	sadd.s32 s0, s3;
	s0 =	sld [smem:$0x3FAB]  }
0x30: {  	s3 =	sld [smem:$0x3FAE]  }
0x31: {  	[smem:$0x3FB7] =	sst s10  }
0x32: {  	s10 =	sld [smem:$0x3FB5];
	_ =	sdelay $0x3  }
0x33: {  	p0 =	seq.s32 s10, $0x1;
	s10 =	sld [smem:$0x3FB7];
	_ =	sdelay $0x3  }
0x34: {  	[smem:$0x3FB7] =	sst s10  }
0x35: {  	s10 =	sld [smem:$0x3FB6];
	_ =	sdelay $0x3  }
0x36: {  	p1 =	seq.s32 s10, $0x1;
	s10 =	sld [smem:$0x3FB7];
	_ =	sdelay $0x3  }
0x37: {  	[smem:$0x3FB7] =	sst s10  }
0x38: {  	s10 =	sld [smem:$0x3FB8]  }
0x39: {  	_ = 	snop;
	(pc) =	sbr.ind lr, $3  }
0x3a: {  	_ = 	snop  }
0x3b: {  	_ = 	snop  }
0x3c: {  	p2 =	seq.s32 s10, $0x1;
	s10 =	sld [smem:$0x3FB7]  }
0x3d: {  	_ =	shalt  }
0x3e: {  	_ =	shalt  }
0x3f: {  	_ =	shalt  }
0x40: {  	_ =	shalt  }
0x41: {  	_ =	shalt  }
0x42: {  	_ =	shalt  }
0x43: {  	_ =	shalt  }
0x44: {  	_ =	shalt  }
0x45: {  	_ =	shalt  }
0x46: {  	_ =	shalt  }
0x47: {  	_ =	shalt  }
0x48: {  	_ =	shalt  }
0x49: {  	_ =	shalt  }
0x4a: {  	_ =	shalt  }
0x4b: {  	_ =	shalt  }
0x4c: {  	_ =	shalt  }
0x4d: {  	_ =	shalt  }
0x4e: {  	_ =	shalt  }
0x4f: {  	_ =	shalt  }
0x50: {  	_ =	shalt  }
0x51: {  	_ =	shalt  }
0x52: {  	_ =	shalt  }
0x53: {  	_ =	shalt  }
0x54: {  	_ =	shalt  }
0x55: {  	_ =	shalt  }
0x56: {  	_ =	shalt  }
0x57: {  	_ =	shalt  }
0x58: {  	_ =	shalt  }
0x59: {  	_ =	shalt  }
0x5a: {  	_ =	shalt  }
0x5b: {  	_ =	shalt  }
0x5c: {  	_ =	shalt  }
0x5d: {  	_ =	shalt  }
0x5e: {  	_ =	shalt  }
0x5f: {  	_ =	shalt  }
0x60: {  	_ =	shalt  }
0x61: {  	_ =	shalt  }
0x62: {  	_ =	shalt  }
0x63: {  	_ =	shalt  }
0x64: {  	_ =	shalt  }
0x65: {  	_ =	shalt  }
0x66: {  	_ =	shalt  }
0x67: {  	_ =	shalt  }
0x68: {  	_ =	shalt  }
0x69: {  	_ =	shalt  }
0x6a: {  	_ =	shalt  }
0x6b: {  	_ =	shalt  }
0x6c: {  	_ =	shalt  }
0x6d: {  	_ =	shalt  }
0x6e: {  	_ =	shalt  }
0x6f: {  	_ =	shalt  }
0x70: {  	_ =	shalt  }
0x71: {  	_ =	shalt  }
0x72: {  	_ =	shalt  }
0x73: {  	_ =	shalt  }
0x74: {  	_ =	shalt  }
0x75: {  	_ =	shalt  }
0x76: {  	_ =	shalt  }
0x77: {  	_ =	shalt  }
0x78: {  	_ =	shalt  }
0x79: {  	_ =	shalt  }
0x7a: {  	_ =	shalt  }
0x7b: {  	_ =	shalt  }
0x7c: {  	_ =	shalt  }
0x7d: {  	_ =	shalt  }
0x7e: {  	_ =	shalt  }
0x7f: {  	_ =	shalt  }
0x80: {  	_ =	shalt  }
0x81: {  	_ =	shalt  }
0x82: {  	_ =	shalt  }
0x83: {  	_ =	shalt  }
0x84: {  	_ =	shalt  }
0x85: {  	_ =	shalt  }
0x86: {  	_ =	shalt  }
0x87: {  	_ =	shalt  }
.Lfunc_end0:
.L_simem_size_0:
called_computation_lowered:
.L_overlay_start_0:
0x88: {  	s2 =	sld [smem:$0x3FD9]  }
0x89: {  	s3 =	sld [smem:$0x3FFE];
	_ =	sdelay $0x1  }
0x8a: {  	s1 =	srdreg.scid  }
0x8b: {  	s0 =	sand.u32 $0x1, s1  }
0x8c: {  	s17 =	sshll.u32 s0, $0xA;
	s2 =	sadd.s32 s3, s2  }
0x8d: {  	s2 =	sadd.s32 s2, s17  }
0x8e: {  	[smem:$0x3FC3] =	sst s2  }
0x8f: {  	_ = 	snop  }
0x90: {  	s2 =	sld [smem:$0x3FC8]  }
0x91: {  	s18 =	sld [smem:$0x3FC7]  }
0x92: {  	s4 =	sld [smem:$0x3FC6]  }
0x93: {  	s5 =	sld [smem:$0x3FC5]  }
0x94: {  	s6 =	sld [smem:$0x3FD0];
	(tm) =	ssettm $0x1  }
0x95: {  	s7 =	sld [smem:$0x3FFB];
	_ =	sdelay $0x3  }
0x96: {  	_ =	strace s7  }
0x97: {  	s7 =	sld [smem:$0x3FFC];
	_ =	sdelay $0x3  }
0x98: {  	_ =	strace s7  }
0x99: {  	s7 =	sld [smem:$0x3FFD];
	_ =	sdelay $0x3  }
0x9a: {  	_ =	strace s7  }
0x9b: {  	_ =	strace $0x8FFFFFFF  }
0x9c: {  	s19 =	sld [smem:$0x3FDB];
	_ =	sdelay $0x1  }
0x9d: {  	s8 =	simm.s32 $_scs_section_size  }
0x9e: {  	s9 =	simm.s32 $_size__tile_overlayer_lowered;
	s10 =	simm.s32 $_tile_overlayer_lowered  }
0x9f: {  	s22 =	simm.s32 $0x1BFF;
	s21 =	sshll.u32 s10, $0x1;
	s7 =	sadd.s32 s8, s19  }
0xa0: {  	s11 =	simm.s32 $0x0;
	s20 =	sshll.u32 s9, $0x1;
	s9 =	sadd.s32 s21, s7  }
0xa1: {  	[timem:s11], [sflag:s22] =	dma.local [hbm:s9], s20  }
0xa2: {  	_ =	swait.ge [sflag:s22], s20  }
0xa3: {  	s8 =	ssub.s32 $0x0, s20;
	[sflag:s22] =	ssyncset.done $0x0  }
0xa4: {  	[sflag:s22] =	ssyncadd.s32 s8;
	_ =	sdelay $0x1  }
0xa5: {  	s23 =	simm.s32 $0x1B8B  }
0xa6: {  	_ =	swait.ge [sflag:s23], $0x1  }
0xa7: {  	[sflag:s23] =	ssyncset.done $0x0  }
0xa8: {  	s25 =	simm.s32 $0x1B8E;
	s24 =	sld [smem:$0x3FFE];
	[sflag:s23] =	ssyncadd.s32 $0xFFFFFFFF  }
0xa9: {  	s26 =	simm.s32 $execute0_lowered;
	[smem:$0x3FD2] =	sst s25  }
0xaa: {  	s9 =	sshll.u32 s26, $0x1;
	_ =	strace $0x80000046;
	[dreg:$0x1] =	wrdreg $0xFFFFFFFF  }
0xab: {  	s28 =	simm.s32 $_size_execute0_lowered;
	s7 =	sadd.s32 s7, s9;
	[dreg:$0x0] =	wrdreg $0x0  }
0xac: {  	s9 =	sshll.u32 s28, $0x1;
	[dreg:$0x2] =	wrdreg s7  }
0xad: {  	[dreg:$0x3] =	wrdreg s9  }
0xae: {  	[dreg:$0x4] =	wrdreg $0xC0  }
0xaf: {  	_ =	task [dreg:s11], $0x5FFFF  }
0xb0: {  	[dreg:$0x1] =	wrdreg $0xFFFFFFFF  }
0xb1: {  	[dreg:$0x0] =	wrdreg $0x60  }
0xb2: {  	[dreg:$0x2] =	wrdreg s24  }
0xb3: {  	[dreg:$0x3] =	wrdreg s2  }
0xb4: {  	[dreg:$0x4] =	wrdreg s18  }
0xb5: {  	[dreg:$0x5] =	wrdreg s4  }
0xb6: {  	[dreg:$0x6] =	wrdreg s5  }
0xb7: {  	[dreg:$0x7] =	wrdreg s6  }
0xb8: {  	[dreg:$0x8] =	wrdreg $0x9  }
0xb9: {  	_ =	task.clear_ibuf [dreg:s11], $0x9FFFF;
	_ =	strace $0x90000046  }
0xba: {  	s29 =	simm.s32 $0x9;
	_ =	strace $0x80000048  }
0xbb: {  	_ =	swait.ge [sflag:s29], $0x1  }
0xbc: {  	[sflag:s29] =	ssyncadd.s32 $0xFFFFFFFF  }
0xbd: {  	_ =	strace $0x90000048  }
0xbe: {  	_ =	sfence  }
0xbf: {  	s30 =	sld [smem:$0x0];
	_ =	sdelay $0x2  }
0xc0: {  	s31 =	sshll.u32 s1, $0xD;
	s1 =	sshrl.u32 s1, $0x2  }
0xc1: {  	s3 =	sand.u32 $0x4000, s31;
	s1 =	sadd.s32 s1, s30  }
0xc2: {  	s0 =	sor.u32 s3, s0;
	s1 =	sshll.u32 s1, $0x11  }
0xc3: {  	s0 =	sor.u32 s1, s0  }
0xc4: {  	s0 =	sadd.s32 $0x8F2B, s0  }
0xc5: {  	[sflag:s0] =	ssyncadd.remote.s32 $0x1  }
0xc6: {  	_ =	sfence.sel $0xFFFF  }
0xc7: {  	[dreg:$0x0] =	wrdreg $0xFFFFFFFF;
	(pc) =	sbr.abs _section_cstart, $3  }
0xc8: {  	[dreg:$0x1] =	wrdreg $0xFFFFFFFF  }
0xc9: {  	_ =	task.clear_ibuf [dreg:s11], $0x2FFFF;
	_ =	strace $0x9FFFFFFF  }
0xca: {  	(tm) =	ssettm $0x7FFFFFFF  }
0xcb: {  	_ =	shalt  }
tec
execute0_lowered:
.L_overlay_start_1:
0x0: {  	(tag) =	ssettag $0x1  }
0x1: {  	s0 =	rddreg [dreg:$0x0]  }
0x2: {  	s1 =	rddreg [dreg:$0x1]  }
0x3: {  	s3 =	rddreg [dreg:$0x2]  }
0x4: {  	s4 =	rddreg [dreg:$0x3]  }
0x5: {  	s5 =	rddreg [dreg:$0x4]  }
0x6: {  	s19 =	rddreg [dreg:$0x5];
	s6 =	srdreg.scid  }
0x7: {  	s7 =	stileid.u32;
	s2 =	simm.s32 $0x0;
	s29 =	simm.s32 $0x0  }
0x8: {  	s6 =	sand.u32 $0x1, s6;
	s7 =	sshll.u32 s7, $0x1;
	[smem:$0x7FF] =	sst s2  }
0x9: {  	s8 =	sadd.s32 $0x600, s0;
	s0 =	sadd.s32 $0x400, s0;
	s13 =	sadd.s32 $0x1D880, s1  }
0xa: {  	s14 =	sadd.s32 $0x7620, s3;
	s15 =	sadd.s32 $0x7620, s4;
	s21 =	sor.u32 s6, s7  }
0xb: {  	s16 =	sadd.s32 $0x7620, s5;
	_ =	strace $0x80000047;
	s7 =	smul.u32 $0x1E00, s21  }
0xc: {  	s6 =	ssub.s32 $0x2, s6;
	[dreg:$0x7] =	wrdreg s8;
	s9 =	smul.u32 $0xF00, s21  }
0xd: {  	[dreg:$0x8] =	wrdreg s0;
	s22 =	sshrl.u32 s6, $0x1;
	s17 =	smul.u32 $0x780, s21  }
0xe: {  	p0 =	seq.s32 s21, $0x1F;
	s23 =	ssub.s32 s6, s22;
	s24 =	sshrl.u32 s7, $0x3  }
0xf: {  	s25 =	sadd.s32 s1, s9;
	s18 =	sadd.s32 $0xF00, s7;
	s17 =	sadd.s32 s19, s17  }
0x10: {  	s20 =	smax.u32 s23, $0x1;
	[dreg:$0x9] =	wrdreg s25;
	s26 =	sadd.s32 s3, s24  }
0x11: {  	s28 =	sadd.s32 s4, s24;
	s30 =	sshrl.u32 s18, $0x1;
	s12 =	sshrl.u32 s18, $0x3  }
0x12: {  	s8 =	sadd.s32 s5, s24;
	s31 =	sshrl.u32 s18, $0x2;
	[dreg:$0xa] =	wrdreg s26  }
0x13: {  	s25 =	simm.s32 $0x3;
	[dreg:$0xb] =	wrdreg s28;
	s9 =	sadd.s32 s1, s30  }
0x14: {  	s10 =	sadd.s32 s3, s12;
	s11 =	sadd.s32 s4, s12;
	s12 =	sadd.s32 s5, s12  }
0x15: {  	s18 =	sadd.s32 s19, s31;
	s19 =	sadd.s32 $0xEC40, s19;
	s26 =	simm.s32 $0x1  }
.LBB2_1:
0x16: {  	s0 =	rddreg [dreg:$0x9];
	s1 =	simm.s32 $0x80  }
0x17: {  	[tilespmem:s1], [sflag:$0x1] =	stream.linear.gather [hbm4b:s0+s2], $0x3C00, $0x38;
	[tilespmem:$0xF080] =	vst v63  }
0x18: {  	s21 =	rddreg [dreg:$0xa];
	s4 =	simm.s32 $0x7880  }
0x19: {  	[tilespmem:s4], [sflag:$0x1] =	stream.linear.gather [hbm4b:s21+s2], $0xF00, $0x38;
	[tilespmem:$0xF080] =	vst v63  }
0x1a: {  	s22 =	rddreg [dreg:$0xb];
	s5 =	simm.s32 $0x8780  }
0x1b: {  	[tilespmem:s5], [sflag:$0x1] =	stream.linear.gather [hbm4b:s22+s2], $0xF00, $0x38;
	[tilespmem:$0xF080] =	vst v63  }
0x1c: {  	s6 =	simm.s32 $0x9680  }
0x1d: {  	[tilespmem:s6], [sflag:$0x1] =	stream.linear.gather [hbm4b:s8+s2], $0xF00, $0x38;
	[tilespmem:$0xF080] =	vst v63  }
0x1e: {  	s0 =	simm.s32 @p0 $0x0;
	s1 =	simm.s32 @p0 $0x3C80  }
0x1f: {  	[tilespmem:s1], [sflag:$0x2] =	stream.linear.gather @p0 [hbm4b:s13+s0], $0x400, $0x38;
	[tilespmem:$0xF080] =	vst v63  }
0x20: {  	s3 =	rddreg [dreg:$0x8];
	s1 =	simm.s32 @p0 $0x4080  }
0x21: {  	[tilespmem:s1], [sflag:$0x2] =	stream.linear.gather @p0 [hbm4b:s3+s0], $0x200, $0x38;
	[tilespmem:$0xF080] =	vst v63  }
0x22: {  	s1 =	simm.s32 @p0 $0xA580  }
0x23: {  	[tilespmem:s1], [sflag:$0x2] =	stream.linear.gather @p0 [hbm4b:s14+s0], $0x16C, $0x38;
	[tilespmem:$0xF080] =	vst v63  }
0x24: {  	s1 =	simm.s32 @p0 $0xB480  }
0x25: {  	[tilespmem:s1], [sflag:$0x2] =	stream.linear.gather @p0 [hbm4b:s15+s0], $0x16C, $0x38;
	[tilespmem:$0xF080] =	vst v63  }
0x26: {  	s1 =	simm.s32 @p0 $0xC380  }
0x27: {  	[tilespmem:s1], [sflag:$0x2] =	stream.linear.gather @p0 [hbm4b:s16+s0], $0x16C, $0x38;
	[tilespmem:$0xF080] =	vst v63  }
0x28: {  	s0 =	simm.s32 @!p0 $0x0;
	s1 =	simm.s32 @!p0 $0x3C80  }
0x29: {  	[tilespmem:s1], [sflag:$0x2] =	stream.linear.gather @!p0 [hbm4b:s9+s0], $0x3C00, $0x38;
	[tilespmem:$0xF080] =	vst v63  }
0x2a: {  	s1 =	simm.s32 @!p0 $0xA580  }
0x2b: {  	[tilespmem:s1], [sflag:$0x2] =	stream.linear.gather @!p0 [hbm4b:s10+s0], $0xF00, $0x38;
	[tilespmem:$0xF080] =	vst v63  }
0x2c: {  	s1 =	simm.s32 @!p0 $0xB480  }
0x2d: {  	[tilespmem:s1], [sflag:$0x2] =	stream.linear.gather @!p0 [hbm4b:s11+s0], $0xF00, $0x38;
	[tilespmem:$0xF080] =	vst v63  }
0x2e: {  	s1 =	simm.s32 @!p0 $0xC380  }
0x2f: {  	[tilespmem:s1], [sflag:$0x2] =	stream.linear.gather @!p0 [hbm4b:s12+s0], $0xF00, $0x38;
	[tilespmem:$0xF080] =	vst v63  }
0x30: {  	s23 =	rddreg [dreg:$0x7]  }
0x31: {  	[tilespmem:s2], [sflag:$0x3] =	stream.linear.gather [hbm4b:s23+s2], $0x80, $0x38;
	[tilespmem:$0xF080] =	vst v63  }
0x32: {  	_ =	swait.ge [sflag:s25], $0x80  }
0x33: {  	[sflag:s25] =	ssyncset.done $0x0  }
0x34: {  	[sflag:s25] =	ssyncadd.s32 $0xFFFFFF80  }
0x35: {  	v0 =	vld [tilespmem:$0x0];
	_ =	sdelay $0x4  }
0x36: {  	v0 =	vsub.f32 $0.0e+00, v0;
	_ =	sdelay $0x1  }
0x37: {  	v0 =	vmul.f32 $1.442695020e+00, v0;
	_ =	sdelay $0x1  }
0x38: {  	(erf) = vpow2.f32 v0;
	_ =	sdelay $0x3  }
0x39: {  	v0 =	vld [tilespmem:$0x10];
	_ =	sdelay $0x4  }
0x3a: {  	v0 =	vsub.f32 $0.0e+00, v0;
	v1 =	vpop (erf)  }
0x3b: {  	v1 =	vadd.f32 $1.000000000e+00, v1  }
0x3c: {  	v0 =	vmul.f32 $1.442695020e+00, v0  }
0x3d: {  	(erf) = vrcp.f32 v1  }
0x3e: {  	(erf) = vpow2.f32 v0;
	_ =	sdelay $0x7  }
0x3f: {  	v0 =	vpop (erf)  }
0x40: {  	v1 =	vpop (erf)  }
0x41: {  	v1 =	vadd.f32 $1.000000000e+00, v1;
	_ =	sdelay $0x1  }
0x42: {  	(erf) = vrcp.f32 v1;
	_ =	sdelay $0x8  }
0x43: {  	[tilespmem:$0x0] =	vst v0;
	v0 =	vpop (erf)  }
0x44: {  	[tilespmem:$0x10] =	vst v0  }
0x45: {  	_ =	swait.ge [sflag:s26], $0x3C00  }
0x46: {  	[sflag:s26] =	ssyncset.done $0x0  }
0x47: {  	[sflag:s26] =	ssyncadd.s32 $0xFFFFC400  }
0x48: {  	_ =	swait.ge [sflag:s26], $0xF00  }
0x49: {  	[sflag:s26] =	ssyncset.done $0x0  }
0x4a: {  	[sflag:s26] =	ssyncadd.s32 $0xFFFFF100  }
0x4b: {  	_ =	swait.ge [sflag:s26], $0xF00  }
0x4c: {  	[sflag:s26] =	ssyncset.done $0x0  }
0x4d: {  	s24 =	simm.s32 $0x0;
	[sflag:s26] =	ssyncadd.s32 $0xFFFFF100  }
0x4e: {  	s3 =	sand.u32 $0x60, s24;
	_ =	swait.ge [sflag:s26], $0xF00  }
0x4f: {  	s21 =	sor.u32 $0x10, s3;
	s0 =	sand.u32 $0xF80, s24;
	[sflag:s26] =	ssyncset.done $0x0  }
0x50: {  	s0 =	sor.u32 s0, s21;
	[sflag:s26] =	ssyncadd.s32 $0xFFFFF100  }
0x51: {  	v0 =	vld [tilespmem:s0+$0x8780]  }
0x52: {  	v1 =	vld [tilespmem:s0+$0x7880]  }
0x53: {  	s1 =	simm.s32 $0x0;
	v2 =	vld [tilespmem:s0+$0x9680]  }
0x54: {  	v3 =	vld [tilespmem:s6+$0x0];
	s0 =	sand.u32 $0x3FFFFE00, s1  }
0x55: {  	v4 =	vld [tilespmem:s5+$0x0];
	s0 =	sor.u32 $0x80, s0  }
0x56: {  	v5 =	vld [tilespmem:s4+$0x0];
	s4 =	sor.u32 s21, s0;
	v0 =	vand.u32 $0x1F, v0  }
0x57: {  	v7 =	vld [tilespmem:s4+$0x0];
	v1 =	vand.u32 $0x1F, v1  }
0x58: {  	v8 =	vld [tilespmem:s4+$0x80];
	v2 =	vand.u32 $0x1F, v2  }
0x59: {  	v9 =	vld [tilespmem:s4+$0x100];
	_ =	sdelay $0x1  }
0x5a: {  	v0 =	vld.idx.msk [tilespmem:v0+s2+$0x0], $0xffff  }
0x5b: {  	v1 =	vld.idx.msk [tilespmem:v1+s2+$0x0], $0xffff  }
0x5c: {  	s0 =	sor.u32 s3, s0;
	v4 =	vand.u32 $0x1F, v4;
	v5 =	vand.u32 $0x1F, v5;
	v2 =	vld.idx.msk [tilespmem:v2+s2+$0x0], $0xffff  }
0x5d: {  	v6 =	vld [tilespmem:s0+$0x80];
	v3 =	vand.u32 $0x1F, v3;
	vm0 =	vle.f32 v7, v8;
	vm1 =	vle.f32 v8, v9  }
0x5e: {  	v10 =	vld [tilespmem:s0+$0x100];
	vm3 =	vle.f32 v7, v9;
	vm2 =	vmneg vm0;
	vm4 =	vmneg vm1  }
0x5f: {  	v11 =	vld [tilespmem:s0+$0x0];
	vm5 =	vmor vm0, vm3;
	vm6 =	vmxor vm0, vm1;
	vm4 =	vmand vm0, vm4  }
0x60: {  	vm7 =	vmxor vm0, vm3;
	v12 =	vsel vm6, v1, v0;
	v13 =	vsel vm4, v0, v1  }
0x61: {  	v4 =	vld.idx.msk [tilespmem:v4+s2+$0x0], $0xffff;
	vm1 =	vmand vm1, vm2;
	v12 =	vsel vm7, v2, v12;
	v13 =	vsel vm5, v13, v2  }
0x62: {  	v5 =	vld.idx.msk [tilespmem:v5+s2+$0x0], $0xffff;
	vm0 =	vmand vm0, vm3;
	v0 =	vsel vm1, v0, v1;
	v1 =	vmul.f32 v13, v12  }
0x63: {  	vm15 =	vle.f32 v6, v10;
	v0 =	vsel vm0, v2, v0  }
0x64: {  	vm8 =	vle.f32 v11, v6;
	vm11 =	vle.f32 v11, v10;
	v2 =	vld.idx.msk [tilespmem:v3+s2+$0x0], $0xffff;
	v3 =	vmul.f32 v1, v0  }
0x65: {  	vm9 =	vmneg vm15;
	vm10 =	vmxor vm8, vm15;
	vm12 =	vmneg vm8  }
0x66: {  	vm13 =	vmxor vm8, vm11;
	v13 =	vmul.f32 v13, v0;
	v1 =	vsub.f32 v1, v3  }
0x67: {  	vm14 =	vmor vm8, vm11;
	vm2 =	vmand vm8, vm9;
	v14 =	vsel vm10, v5, v4  }
0x68: {  	v0 =	vmul.f32 v12, v0;
	v12 =	vsub.f32 v13, v3;
	v13 =	vadd.f32 v1, v3  }
0x69: {  	v15 =	vsel vm2, v4, v5;
	vm1 =	vmand vm15, vm12;
	v14 =	vsel vm13, v2, v14  }
0x6a: {  	v15 =	vsel vm14, v15, v2;
	v0 =	vsub.f32 v0, v3;
	v13 =	vadd.f32 v13, v12  }
0x6b: {  	vm0 =	vmand vm8, vm11;
	v4 =	vsel vm1, v4, v5;
	v16 =	vmul.f32 v15, v14  }
0x6c: {  	v2 =	vsel vm0, v2, v4;
	v4 =	vadd.f32 v13, v0  }
0x6d: {  	v5 =	vmul.f32 v16, v2  }
0x6e: {  	v15 =	vmul.f32 v15, v2;
	v13 =	vsub.f32 $1.000000000e+00, v4  }
0x6f: {  	v16 =	vsub.f32 v16, v5;
	v4 =	vadd.f32 $9.999999930e-09, v4  }
0x70: {  	v2 =	vmul.f32 v14, v2;
	v15 =	vsub.f32 v15, v5;
	v14 =	vmul.f32 v13, v13  }
0x71: {  	v17 =	vadd.f32 v16, v5;
	v0 =	vsub.f32 v4, v0  }
0x72: {  	(erf) = vrcp.f32 v4;
	v12 =	vsub.f32 v4, v12;
	v14 =	vmul.f32 v14, v14  }
0x73: {  	(erf) = vrcp.f32 v0;
	v0 =	vsub.f32 v2, v5;
	v2 =	vadd.f32 v17, v15  }
0x74: {  	v1 =	vsub.f32 v4, v1  }
0x75: {  	(erf) = vrcp.f32 v12;
	v4 =	vmul.f32 v14, v14;
	v2 =	vadd.f32 v2, v0  }
0x76: {  	v12 =	vmax.f32 v11, v6;
	(erf) = vrcp.f32 v1  }
0x77: {  	v1 =	vmin.f32 v11, v6;
	v4 =	vmul.f32 v4, v13;
	v6 =	vadd.f32 $9.999999930e-09, v2  }
0x78: {  	v14 =	vmin.f32 v12, v10;
	v11 =	vsub.f32 $1.000000000e+00, v2  }
0x79: {  	v13 =	vmax.f32 v1, v14;
	v4 =	vsub.f32 $1.000000000e+00, v4;
	v14 =	vsub.f32 v6, v0  }
0x7a: {  	v17 =	vmul.f32 v11, v11  }
0x7b: {  	v0 =	vmin.f32 v1, v10;
	v1 =	vmul.f32 v4, v3;
	v4 =	vsub.f32 v6, v15  }
0x7c: {  	v12 =	vmax.f32 v12, v10;
	(erf) = vrcp.f32 v6;
	v3 =	vpop (erf);
	v10 =	vmul.f32 v17, v17  }
0x7d: {  	v16 =	vsub.f32 v6, v16;
	(erf) = vrcp.f32 v14;
	v14 =	vpop (erf);
	v3 =	vmul.f32 v1, v3  }
0x7e: {  	(erf) = vrcp.f32 v4;
	v14 =	vmul.f32 v1, v14  }
0x7f: {  	v10 =	vmul.f32 v10, v10;
	(erf) = vrcp.f32 v16;
	v4 =	vpop (erf)  }
0x80: {  	v17 =	vsub.f32 $1.000000000e+00, v3;
	v14 =	vsub.f32 v14, v3;
	v4 =	vmul.f32 v1, v4  }
0x81: {  	v16 =	vmin.f32 v7, v8;
	v7 =	vmax.f32 v7, v8;
	v10 =	vmul.f32 v10, v11;
	v11 =	vpop (erf)  }
0x82: {  	s0 =	simm.s32 $0x20;
	v1 =	vmul.f32 v1, v11;
	v4 =	vsub.f32 v4, v3;
	v11 =	vsub.f32 v17, v14  }
0x83: {  	s30 =	sand.u32 $0x60, s0;
	v8 =	vmin.f32 v7, v9  }
0x84: {  	s5 =	sand.u32 $0xF80, s0;
	s31 =	sor.u32 $0x10, s30;
	v7 =	vmax.f32 v7, v9;
	v1 =	vsub.f32 v1, v3;
	v11 =	vsub.f32 v11, v4  }
0x85: {  	s1 =	sor.u32 s5, s31;
	v8 =	vmax.f32 v16, v8;
	v10 =	vsub.f32 $1.000000000e+00, v10;
	v17 =	vmin.f32 v16, v9  }
0x86: {  	s7 =	simm.s32 $0x80;
	v20 =	vld [tilespmem:s1+$0x7880];
	v9 =	vsub.f32 v11, v1;
	v11 =	vmul.f32 v14, v7;
	v14 =	vmul.f32 v8, v7  }
0x87: {  	s4 =	sand.u32 $0x3FFFFE00, s7;
	v16 =	vld [tilespmem:s1+$0x8780];
	v18 =	vsub.f32 v8, v17;
	v4 =	vmul.f32 v4, v8;
	v19 =	vmul.f32 v1, v8  }
0x88: {  	s6 =	simm.s32 $0x96A0;
	s4 =	sor.u32 $0x80, s4;
	v7 =	vsub.f32 v7, v17;
	v9 =	vmul.f32 v9, v14;
	v8 =	vadd.f32 v11, v3;
	v11 =	vld [tilespmem:s1+$0x9680]  }
0x89: {  	s22 =	sor.u32 s31, s4;
	v2 =	vmul.f32 v13, v12;
	v10 =	vmul.f32 v10, v5;
	v26 =	vadd.f32 v4, v4;
	v3 =	vpop (erf);
	v14 =	vld [tilespmem:s6+$0x0]  }
0x8a: {  	s1 =	simm.s32 $0x87A0;
	v7 =	vmul.f32 v4, v7;
	v4 =	vld [tilespmem:s22+$0x100];
	v21 =	vpop (erf);
	v18 =	vmul.f32 v8, v18;
	v19 =	vadd.f32 v9, v19  }
0x8b: {  	s28 =	simm.s32 $0x78A0;
	v5 =	vsub.f32 $1.000000000e+00, v17;
	v22 =	vld [tilespmem:s1+$0x0];
	v23 =	vmul.f32 v10, v3;
	v3 =	vmul.f32 v10, v21  }
0x8c: {  	v15 =	vsub.f32 v13, v0;
	v16 =	vand.u32 $0x1F, v16;
	v21 =	vld [tilespmem:s28+$0x0];
	v7 =	vadd.f32 v18, v7  }
0x8d: {  	v5 =	vmul.f32 v19, v5;
	v18 =	vand.u32 $0x1F, v20;
	v20 =	vsub.f32 v3, v23;
	v3 =	vld [tilespmem:s22+$0x0]  }
0x8e: {  	v6 =	vsub.f32 v12, v0;
	v24 =	vsub.f32 $1.000000000e+00, v23;
	v11 =	vand.u32 $0x1F, v11;
	v19 =	vpop (erf)  }
0x8f: {  	v14 =	vand.u32 $0x1F, v14;
	v27 =	vadd.f32 v5, v7;
	v5 =	vld [tilespmem:s22+$0x80];
	v12 =	vmul.f32 v20, v12;
	v25 =	vpop (erf)  }
0x90: {  	v19 =	vmul.f32 v10, v19;
	v7 =	vmul.f32 v10, v25;
	v10 =	vsub.f32 v24, v20  }
0x91: {  	v16 =	vld.idx.msk [tilespmem:v16+s2+$0x0], $0xffff;
	v22 =	vand.u32 $0x1F, v22;
	v20 =	vadd.f32 v26, v8;
	v8 =	vadd.f32 v12, v23  }
0x92: {  	v21 =	vand.u32 $0x1F, v21;
	v19 =	vsub.f32 v19, v23;
	v18 =	vld.idx.msk [tilespmem:v18+s2+$0x0], $0xffff;
	vm10 =	vle.f32 v3, v4  }
0x93: {  	s4 =	sor.u32 s30, s4;
	v24 =	vsub.f32 v7, v23;
	v23 =	vld.idx.msk [tilespmem:v11+s2+$0x0], $0xffff;
	v9 =	vadd.f32 v9, v20;
	v7 =	vmul.f32 v8, v15  }
0x94: {  	v20 =	vld [tilespmem:s4+$0x80];
	v10 =	vsub.f32 v10, v19;
	v19 =	vmul.f32 v19, v13;
	vm0 =	vle.f32 v3, v5  }
0x95: {  	v15 =	vld [tilespmem:s4+$0x100];
	vm15 =	vle.f32 v5, v4;
	v11 =	vmul.f32 v24, v13;
	vm9 =	vmneg vm0  }
0x96: {  	vm11 =	vmneg vm15;
	vm12 =	vmor vm0, vm10;
	vm13 =	vmxor vm0, vm15  }
0x97: {  	vm14 =	vmxor vm0, vm10;
	v12 =	vsub.f32 v10, v24;
	v24 =	vld [tilespmem:s4+$0x0];
	vm4 =	vmand vm0, vm11  }
0x98: {  	vm1 =	vmand vm15, vm9;
	v10 =	vsel vm13, v18, v16;
	v13 =	vsel vm4, v16, v18  }
0x99: {  	vm0 =	vmand vm0, vm10;
	v10 =	vsel vm14, v23, v10;
	v13 =	vsel vm12, v13, v23  }
0x9a: {  	v22 =	vld.idx.msk [tilespmem:v22+s2+$0x0], $0xffff;
	v16 =	vsel vm1, v16, v18;
	vm8 =	vle.f32 v20, v15;
	v18 =	vmul.f32 v13, v10  }
0x9b: {  	v9 =	vmul.f32 v9, v17;
	v21 =	vld.idx.msk [tilespmem:v21+s2+$0x0], $0xffff;
	v23 =	vsel vm0, v23, v16;
	vm9 =	vmneg vm8  }
0x9c: {  	v13 =	vmul.f32 v13, v23;
	vm15 =	vle.f32 v24, v20;
	v17 =	vmul.f32 v18, v23  }
0x9d: {  	v14 =	vld.idx.msk [tilespmem:v14+s2+$0x0], $0xffff;
	vm11 =	vle.f32 v24, v15;
	v23 =	vmul.f32 v10, v23;
	v10 =	vmul.f32 v19, v6  }
0x9e: {  	vm10 =	vmxor vm15, vm8;
	vm0 =	vmand vm15, vm9;
	vm12 =	vmneg vm15  }
0x9f: {  	vm13 =	vmor vm15, vm11;
	vm14 =	vmxor vm15, vm11;
	v16 =	vsub.f32 v18, v17  }
0xa0: {  	vm15 =	vmand vm15, vm11;
	v25 =	vsel vm10, v21, v22;
	v26 =	vsel vm0, v22, v21  }
0xa1: {  	vm0 =	vmand vm8, vm12;
	v18 =	vsub.f32 v13, v17;
	v28 =	vadd.f32 v16, v17  }
0xa2: {  	v13 =	vadd.f32 v19, v19;
	v29 =	vsub.f32 v23, v17;
	v25 =	vsel vm14, v14, v25  }
0xa3: {  	v6 =	vsel vm13, v26, v14;
	v21 =	vsel vm0, v22, v21;
	v19 =	vadd.f32 v28, v18  }
0xa4: {  	s23 =	simm.s32 $0x0;
	v1 =	vsub.f32 $1.000000000e+00, v0;
	v26 =	vmul.f32 v6, v25;
	v21 =	vsel vm15, v14, v21  }
0xa5: {  	s4 =	sand.u32 $0x3FFFFF00, s23;
	v31 =	vmul.f32 v6, v21;
	v28 =	vmax.f32 v24, v20;
	v30 =	vadd.f32 v19, v29  }
0xa6: {  	s4 =	sadd.s32 $0xD280, s4;
	v25 =	vmul.f32 v25, v21;
	v14 =	vmul.f32 v26, v21;
	v22 =	vmin.f32 v28, v15  }
0xa7: {  	s24 =	sor.u32 s21, s4;
	v19 =	vmin.f32 v24, v20;
	v23 =	vsub.f32 $1.000000000e+00, v30;
	v24 =	vadd.f32 $9.999999930e-09, v30  }
0xa8: {  	[tilespmem:s24+$0x0] =	vst v9;
	v9 =	vmax.f32 v28, v15;
	v20 =	vsub.f32 v26, v14;
	v6 =	vmax.f32 v19, v22  }
0xa9: {  	[tilespmem:s24+$0x80] =	vst v27;
	v22 =	vsub.f32 v25, v14;
	v25 =	vsub.f32 v24, v29;
	v27 =	vmul.f32 v23, v23  }
0xaa: {  	s21 =	sor.u32 s3, s4;
	s4 =	simm.s32 $0x96C0;
	s3 =	simm.s32 $0x20;
	v21 =	vsub.f32 v31, v14;
	v26 =	vadd.f32 v20, v14;
	(erf) = vrcp.f32 v24  }
.LBB2_2:
0xab: {  	v28 =	vld [tilespmem:s4+$0x0];
	v29 =	vsub.f32 v24, v18;
	v27 =	vmul.f32 v27, v27;
	s1 =	sadd.s32 $0x20, s1;
	(erf) = vrcp.f32 v25  }
0xac: {  	v18 =	vmin.f32 v19, v15;
	v25 =	vld [tilespmem:s1+$0x0];
	v15 =	vadd.f32 v26, v21;
	v26 =	vmul.f32 v6, v9  }
0xad: {  	v16 =	vsub.f32 v24, v16;
	v24 =	vmul.f32 v27, v27;
	(erf) = vrcp.f32 v29  }
0xae: {  	v12 =	vmul.f32 v12, v2;
	v19 =	vsub.f32 v6, v18;
	v27 =	vadd.f32 v15, v22;
	v2 =	vmovc v26  }
0xaf: {  	v15 =	vsub.f32 v9, v18;
	v23 =	vmul.f32 v24, v23;
	(erf) = vrcp.f32 v16  }
0xb0: {  	v16 =	vand.u32 $0x1F, v28;
	v24 =	vsub.f32 $1.000000000e+00, v27;
	v26 =	vadd.f32 $9.999999930e-09, v27  }
0xb1: {  	v11 =	vadd.f32 v12, v11;
	v25 =	vand.u32 $0x1F, v25;
	v28 =	vsub.f32 $1.000000000e+00, v23  }
0xb2: {  	v29 =	vsub.f32 v26, v22;
	v21 =	vsub.f32 v26, v21;
	v27 =	vmul.f32 v24, v24  }
0xb3: {  	v20 =	vsub.f32 v26, v20;
	v17 =	vmul.f32 v28, v17;
	(erf) = vrcp.f32 v26;
	v23 =	vpop (erf)  }
0xb4: {  	v8 =	vadd.f32 v13, v8;
	v26 =	vmul.f32 v27, v27;
	(erf) = vrcp.f32 v29;
	v22 =	vpop (erf)  }
0xb5: {  	v13 =	vsub.f32 $1.000000000e+00, v18;
	v23 =	vmul.f32 v17, v23;
	v22 =	vmul.f32 v17, v22  }
0xb6: {  	v8 =	vadd.f32 v12, v8;
	v26 =	vmul.f32 v26, v26;
	(erf) = vrcp.f32 v21;
	v21 =	vpop (erf)  }
0xb7: {  	v12 =	vsub.f32 v22, v23;
	v21 =	vmul.f32 v17, v21;
	v22 =	vsub.f32 $1.000000000e+00, v23  }
0xb8: {  	v10 =	vadd.f32 v7, v10;
	v24 =	vmul.f32 v26, v24;
	(erf) = vrcp.f32 v20;
	v20 =	vpop (erf)  }
0xb9: {  	v7 =	vsub.f32 v21, v23;
	v17 =	vmul.f32 v17, v20;
	v20 =	vsub.f32 v22, v12  }
0xba: {  	s0 =	sadd.s32 $0x20, s0;
	v22 =	vmin.f32 v3, v5;
	v3 =	vmax.f32 v3, v5;
	v21 =	vsub.f32 $1.000000000e+00, v24  }
0xbb: {  	s5 =	sand.u32 $0x60, s0;
	p1 =	slt.u32 s0, $0xEE0;
	v27 =	vmin.f32 v3, v4;
	v17 =	vsub.f32 v17, v23;
	v20 =	vsub.f32 v20, v7  }
0xbc: {  	s23 =	sand.u32 $0xF80, s0;
	s22 =	sor.u32 $0x10, s5;
	v24 =	vmin.f32 v22, v4;
	v3 =	vmax.f32 v3, v4;
	v4 =	vmax.f32 v22, v27;
	v5 =	vpop (erf)  }
0xbd: {  	s23 =	sor.u32 s23, s22;
	v12 =	vmul.f32 v12, v3;
	v22 =	vmul.f32 v4, v3;
	v30 =	vsub.f32 v20, v17;
	v26 =	vpop (erf)  }
0xbe: {  	v28 =	vsub.f32 v4, v24;
	v3 =	vsub.f32 v3, v24;
	v31 =	vmul.f32 v17, v4;
	v27 =	vld [tilespmem:s23+$0x8780]  }
0xbf: {  	v4 =	vmul.f32 v7, v4;
	v12 =	vadd.f32 v12, v23;
	v29 =	vld [tilespmem:s23+$0x7880];
	v7 =	vmul.f32 v30, v22;
	v20 =	vpop (erf)  }
0xc0: {  	v14 =	vmul.f32 v21, v14;
	v21 =	vsub.f32 $1.000000000e+00, v24;
	v23 =	vmul.f32 v11, v1;
	v1 =	vmovc v13;
	v22 =	vld [tilespmem:s23+$0x9680]  }
0xc1: {  	v11 =	vmul.f32 v12, v28;
	v3 =	vmul.f32 v4, v3;
	s23 =	sshll.u32 s0, $0x2;
	v13 =	vadd.f32 v7, v31;
	v17 =	vpop (erf)  }
0xc2: {  	s28 =	sadd.s32 $0x20, s28;
	v28 =	vmul.f32 v14, v5;
	v5 =	vmul.f32 v14, v26;
	v26 =	vadd.f32 v4, v4;
	s23 =	sand.u32 $0x3FFFFE00, s23  }
0xc3: {  	s6 =	sshll.u32 s3, $0x1;
	s3 =	smov.u32 s0;
	v4 =	vadd.f32 v11, v3;
	s23 =	sor.u32 $0x80, s23;
	v30 =	vld [tilespmem:s28+$0x0];
	v27 =	vand.u32 $0x1F, v27;
	v11 =	vmul.f32 v13, v21  }
0xc4: {  	s6 =	sand.u32 $0x3FFFFF00, s6;
	s24 =	sor.u32 s5, s23;
	s23 =	sor.u32 s22, s23;
	v21 =	vld.idx.msk [tilespmem:v25+s2+$0x0], $0xffff;
	v13 =	vand.u32 $0x1F, v29;
	v25 =	vsub.f32 v5, v28;
	v29 =	vsub.f32 $1.000000000e+00, v28  }
0xc5: {  	s6 =	sadd.s32 $0xD280, s6;
	v20 =	vmul.f32 v14, v20;
	v3 =	vld [tilespmem:s23+$0x0];
	v22 =	vand.u32 $0x1F, v22;
	v11 =	vadd.f32 v11, v4  }
0xc6: {  	s7 =	sor.u32 s30, s6;
	s6 =	sor.u32 s31, s6;
	s30 =	smov.u32 s5;
	v14 =	vmul.f32 v14, v17;
	v5 =	vld [tilespmem:s23+$0x80];
	v17 =	vsub.f32 v29, v25;
	v9 =	vmul.f32 v25, v9  }
0xc7: {  	s31 =	smov.u32 s22;
	v12 =	vadd.f32 v26, v12;
	v20 =	vsub.f32 v20, v28;
	v25 =	vmul.f32 v8, v0;
	v4 =	vld [tilespmem:s23+$0x100];
	[tilespmem:s6+$0x80] =	vst v11  }
0xc8: {  	v14 =	vsub.f32 v14, v28;
	v0 =	vmovc v18;
	v26 =	vand.u32 $0x1F, v30;
	v27 =	vld.idx.msk [tilespmem:v27+s2+$0x0], $0xffff;
	v8 =	vadd.f32 v9, v28  }
0xc9: {  	v18 =	vadd.f32 v7, v12;
	v9 =	vld.idx.msk [tilespmem:v13+s2+$0x0], $0xffff;
	v13 =	vsub.f32 v17, v20;
	v17 =	vmul.f32 v20, v6  }
0xca: {  	v11 =	vmul.f32 v14, v6;
	v6 =	vadd.f32 v23, v10;
	v20 =	vld.idx.msk [tilespmem:v22+s2+$0x0], $0xffff;
	v7 =	vmul.f32 v8, v19  }
0xcb: {  	v19 =	vld [tilespmem:s24+$0x80];
	v12 =	vsub.f32 v13, v14;
	v13 =	vadd.f32 v17, v17;
	v10 =	vmul.f32 v17, v15;
	[tilespmem:s21+$0x0] =	vst v25  }
0xcc: {  	vm0 =	vle.f32 v3, v5;
	v14 =	vmul.f32 v18, v24;
	v15 =	vld [tilespmem:s24+$0x100];
	vm1 =	vle.f32 v5, v4;
	[tilespmem:s21+$0x80] =	vst v6;
	s21 =	smov.u32 s7  }
0xcd: {  	vm2 =	vmneg vm0;
	vm3 =	vle.f32 v3, v4;
	v6 =	vld [tilespmem:s24+$0x0];
	vm4 =	vmneg vm1  }
0xce: {  	vm5 =	vmor vm0, vm3;
	vm6 =	vmxor vm0, vm1;
	v22 =	vld.idx.msk [tilespmem:v26+s2+$0x0], $0xffff;
	vm4 =	vmand vm0, vm4;
	[tilespmem:s6+$0x0] =	vst v14  }
0xcf: {  	vm7 =	vmxor vm0, vm3;
	v14 =	vsel vm6, v9, v27;
	v17 =	vsel vm4, v27, v9  }
0xd0: {  	vm1 =	vmand vm1, vm2;
	v14 =	vsel vm7, v20, v14;
	v18 =	vsel vm5, v17, v20  }
0xd1: {  	vm2 =	vmand vm0, vm3;
	v9 =	vsel vm1, v27, v9;
	v23 =	vmul.f32 v18, v14  }
0xd2: {  	v9 =	vsel vm2, v20, v9;
	vm1 =	vle.f32 v19, v15;
	v24 =	vld.idx.msk [tilespmem:v16+s2+$0x0], $0xffff;
	vm0 =	vle.f32 v6, v19  }
0xd3: {  	vm2 =	vmneg vm1;
	vm3 =	vmxor vm0, vm1;
	v17 =	vmul.f32 v23, v9  }
0xd4: {  	vm4 =	vle.f32 v6, v15;
	vm2 =	vmand vm0, vm2;
	v20 =	vsel vm3, v22, v21  }
0xd5: {  	v18 =	vmul.f32 v18, v9;
	v25 =	vsel vm2, v21, v22;
	v16 =	vsub.f32 v23, v17  }
0xd6: {  	vm5 =	vmxor vm0, vm4;
	vm2 =	vmneg vm0;
	vm3 =	vmor vm0, vm4  }
0xd7: {  	v9 =	vmul.f32 v14, v9;
	v18 =	vsub.f32 v18, v17;
	v14 =	vadd.f32 v16, v17  }
0xd8: {  	vm1 =	vmand vm1, vm2;
	v20 =	vsel vm5, v24, v20;
	v23 =	vsel vm3, v25, v24  }
0xd9: {  	v9 =	vsub.f32 v9, v17;
	v25 =	vmul.f32 v23, v20;
	v14 =	vadd.f32 v14, v18  }
0xda: {  	v26 =	vmax.f32 v6, v19;
	vm0 =	vmand vm0, vm4;
	v21 =	vsel vm1, v21, v22  }
0xdb: {  	v22 =	vmin.f32 v26, v15;
	v21 =	vsel vm0, v24, v21;
	v24 =	vadd.f32 v14, v9  }
.Ltmp0:
0xdc: {  	v19 =	vmin.f32 v6, v19;
	v27 =	vmul.f32 v23, v21;
	v14 =	vmul.f32 v25, v21;
	(pc) =	sbr.rel @p1 .LBB2_2-.Ltmp0, $4  }
0xdd: {  	v28 =	vmul.f32 v20, v21;
	v23 =	vsub.f32 $1.000000000e+00, v24;
	v24 =	vadd.f32 $9.999999930e-09, v24  }
0xde: {  	v6 =	vmax.f32 v19, v22;
	v20 =	vsub.f32 v25, v14;
	v21 =	vsub.f32 v27, v14  }
0xdf: {  	v22 =	vsub.f32 v28, v14;
	v25 =	vsub.f32 v24, v9;
	v27 =	vmul.f32 v23, v23  }
0xe0: {  	s4 =	sadd.s32 $0x20, s4;
	v9 =	vmax.f32 v26, v15;
	v26 =	vadd.f32 v20, v14;
	(erf) = vrcp.f32 v24  }
0xe1: {  	v27 =	vmul.f32 v27, v27  }
0xe2: {  	v18 =	vsub.f32 v24, v18;
	(erf) = vrcp.f32 v25;
	v25 =	vadd.f32 v26, v21  }
0xe3: {  	v16 =	vsub.f32 v24, v16;
	v24 =	vmul.f32 v27, v27  }
0xe4: {  	(erf) = vrcp.f32 v18;
	v18 =	vadd.f32 v25, v22  }
0xe5: {  	v2 =	vmul.f32 v12, v2;
	v23 =	vmul.f32 v24, v23  }
0xe6: {  	(erf) = vrcp.f32 v16;
	v12 =	vsub.f32 $1.000000000e+00, v18;
	v16 =	vadd.f32 $9.999999930e-09, v18  }
0xe7: {  	v23 =	vsub.f32 $1.000000000e+00, v23  }
0xe8: {  	v22 =	vsub.f32 v16, v22;
	v24 =	vmul.f32 v12, v12  }
0xe9: {  	v21 =	vsub.f32 v16, v21;
	(erf) = vrcp.f32 v16  }
0xea: {  	v16 =	vsub.f32 v16, v20;
	v17 =	vmul.f32 v23, v17;
	v20 =	vmul.f32 v24, v24  }
0xeb: {  	v15 =	vmin.f32 v19, v15;
	v23 =	vpop (erf);
	(erf) = vrcp.f32 v22  }
0xec: {  	v8 =	vadd.f32 v13, v8;
	v22 =	vpop (erf);
	v13 =	vmul.f32 v17, v23;
	v20 =	vmul.f32 v20, v20  }
0xed: {  	v7 =	vadd.f32 v7, v10;
	(erf) = vrcp.f32 v21;
	v22 =	vmul.f32 v17, v22;
	v21 =	vpop (erf)  }
0xee: {  	v11 =	vadd.f32 v2, v11;
	v2 =	vadd.f32 v2, v8;
	v21 =	vmul.f32 v17, v21  }
0xef: {  	v24 =	vsub.f32 $1.000000000e+00, v13;
	v8 =	vmul.f32 v20, v12;
	v12 =	vpop (erf);
	v22 =	vsub.f32 v22, v13  }
0xf0: {  	v10 =	vmin.f32 v3, v5;
	v19 =	vsub.f32 v6, v15;
	v12 =	vmul.f32 v17, v12  }
0xf1: {  	(erf) = vrcp.f32 v16;
	v16 =	vsub.f32 v21, v13;
	v17 =	vsub.f32 v24, v22  }
0xf2: {  	v3 =	vmax.f32 v3, v5;
	v8 =	vsub.f32 $1.000000000e+00, v8;
	v5 =	vsub.f32 v12, v13  }
0xf3: {  	v12 =	vsub.f32 v17, v16;
	v17 =	vmin.f32 v3, v4;
	v3 =	vmax.f32 v3, v4  }
0xf4: {  	v18 =	vsub.f32 v9, v15;
	v8 =	vmul.f32 v8, v14;
	v14 =	vmul.f32 v22, v3  }
0xf5: {  	v23 =	vsub.f32 $1.000000000e+00, v15;
	v20 =	vmin.f32 v10, v4;
	v4 =	vmax.f32 v10, v17;
	v10 =	vpop (erf)  }
0xf6: {  	v12 =	vsub.f32 v12, v5;
	v17 =	vmul.f32 v4, v3;
	v21 =	vpop (erf);
	v22 =	vsub.f32 v4, v20  }
0xf7: {  	v3 =	vsub.f32 v3, v20;
	v10 =	vmul.f32 v8, v10;
	v21 =	vmul.f32 v8, v21  }
0xf8: {  	v5 =	vmul.f32 v5, v4;
	v4 =	vmul.f32 v16, v4;
	v13 =	vadd.f32 v14, v13;
	v14 =	vpop (erf)  }
0xf9: {  	v16 =	vsub.f32 v21, v10;
	v21 =	vsub.f32 $1.000000000e+00, v10;
	v14 =	vmul.f32 v8, v14  }
0xfa: {  	v12 =	vmul.f32 v12, v17;
	v17 =	vsub.f32 $1.000000000e+00, v20;
	v3 =	vmul.f32 v4, v3;
	v24 =	vpop (erf)  }
0xfb: {  	v8 =	vmul.f32 v8, v24;
	v21 =	vsub.f32 v21, v16;
	v14 =	vsub.f32 v14, v10  }
0xfc: {  	v4 =	vadd.f32 v4, v4;
	v22 =	vmul.f32 v13, v22;
	v5 =	vadd.f32 v12, v5  }
0xfd: {  	v24 =	vmul.f32 v6, v9;
	v8 =	vsub.f32 v8, v10;
	v21 =	vsub.f32 v21, v14  }
0xfe: {  	v4 =	vadd.f32 v4, v13;
	v9 =	vmul.f32 v16, v9;
	v14 =	vmul.f32 v14, v6  }
0xff: {  	v3 =	vadd.f32 v22, v3;
	v5 =	vmul.f32 v5, v17;
	v13 =	vsub.f32 v21, v8  }
0x100: {  	s0 =	sshll.u32 s3, $0x1;
	v1 =	vmul.f32 v11, v1;
	v9 =	vadd.f32 v9, v10;
	v10 =	vadd.f32 v14, v14  }
0x101: {  	s0 =	sand.u32 $0x3FFFFF00, s0;
	v3 =	vadd.f32 v5, v3;
	v5 =	vmul.f32 v8, v6;
	v6 =	vmul.f32 v13, v24  }
0x102: {  	s0 =	sadd.s32 $0xD280, s0;
	v0 =	vmul.f32 v2, v0;
	v2 =	vadd.f32 v12, v4;
	v4 =	vadd.f32 v10, v9  }
0x103: {  	s1 =	sor.u32 s31, s0;
	v8 =	vmul.f32 v9, v19;
	v9 =	vmul.f32 v14, v18;
	v5 =	vadd.f32 v6, v5  }
0x104: {  	v1 =	vadd.f32 v1, v7;
	[tilespmem:s1+$0x80] =	vst v3;
	v3 =	vadd.f32 v6, v4  }
0x105: {  	[tilespmem:s21+$0x0] =	vst v0;
	v0 =	vmul.f32 v2, v20;
	v2 =	vadd.f32 v8, v9;
	v4 =	vmul.f32 v5, v23  }
0x106: {  	[tilespmem:s21+$0x80] =	vst v1;
	v1 =	vmul.f32 v3, v15  }
0x107: {  	s0 =	sor.u32 s30, s0;
	[tilespmem:s1+$0x0] =	vst v0;
	v0 =	vadd.f32 v4, v2  }
0x108: {  	[tilespmem:s0+$0x0] =	vst v1  }
0x109: {  	s5 =	simm.s32 $0xD280;
	[tilespmem:s0+$0x80] =	vst v0  }
0x10a: {  	[hbm4b:s17+s2] =	stream.linear.scatter [tilespmem:s5], [sflag:$0x3], $0x1E00, $0x38;
	[tilespmem:$0xF080] =	vst v63  }
0x10b: {  	_ =	swait.ge [sflag:s25], $0x1E00  }
0x10c: {  	[sflag:s25] =	ssyncset.done $0x0  }
0x10d: {  	s0 =	simm.s32 @p0 $0x2;
	[sflag:s25] =	ssyncadd.s32 $0xFFFFE200  }
0x10e: {  	_ =	swait.ge @p0 [sflag:s0], $0x400  }
0x10f: {  	[sflag:s0] =	ssyncset.done @p0 $0x0  }
0x110: {  	[sflag:s0] =	ssyncadd.s32 @p0 $0xFFFFFC00  }
0x111: {  	_ =	swait.ge @p0 [sflag:s0], $0x200  }
0x112: {  	[sflag:s0] =	ssyncset.done @p0 $0x0  }
0x113: {  	[sflag:s0] =	ssyncadd.s32 @p0 $0xFFFFFE00  }
0x114: {  	_ =	swait.ge @p0 [sflag:s0], $0x16C  }
0x115: {  	[sflag:s0] =	ssyncset.done @p0 $0x0  }
0x116: {  	[sflag:s0] =	ssyncadd.s32 @p0 $0xFFFFFE94  }
0x117: {  	_ =	swait.ge @p0 [sflag:s0], $0x16C  }
0x118: {  	[sflag:s0] =	ssyncset.done @p0 $0x0  }
0x119: {  	[sflag:s0] =	ssyncadd.s32 @p0 $0xFFFFFE94  }
0x11a: {  	_ =	swait.ge @p0 [sflag:s0], $0x16C  }
0x11b: {  	[sflag:s0] =	ssyncset.done @p0 $0x0  }
0x11c: {  	[sflag:s0] =	ssyncadd.s32 @p0 $0xFFFFFE94;
	s0 =	simm.s32 @!p0 $0x2  }
0x11d: {  	_ =	swait.ge @!p0 [sflag:s0], $0x3C00  }
0x11e: {  	[sflag:s0] =	ssyncset.done @!p0 $0x0  }
0x11f: {  	[sflag:s0] =	ssyncadd.s32 @!p0 $0xFFFFC400  }
0x120: {  	_ =	swait.ge @!p0 [sflag:s0], $0xF00  }
0x121: {  	[sflag:s0] =	ssyncset.done @!p0 $0x0  }
0x122: {  	[sflag:s0] =	ssyncadd.s32 @!p0 $0xFFFFF100  }
0x123: {  	_ =	swait.ge @!p0 [sflag:s0], $0xF00  }
0x124: {  	[sflag:s0] =	ssyncset.done @!p0 $0x0  }
0x125: {  	s6 =	simm.s32 $0x0;
	[sflag:s0] =	ssyncadd.s32 @!p0 $0xFFFFF100  }
0x126: {  	s3 =	sand.u32 $0x60, s6;
	_ =	swait.ge @!p0 [sflag:s0], $0xF00  }
0x127: {  	s21 =	sor.u32 $0x10, s3;
	s1 =	sand.u32 $0xF80, s6;
	[sflag:s0] =	ssyncset.done @!p0 $0x0  }
0x128: {  	s7 =	sor.u32 s1, s21;
	[sflag:s0] =	ssyncadd.s32 @!p0 $0xFFFFF100  }
0x129: {  	v0 =	vld [tilespmem:s7+$0xB480]  }
0x12a: {  	v1 =	vld [tilespmem:s7+$0xA580]  }
0x12b: {  	s22 =	simm.s32 $0xC380;
	s23 =	simm.s32 $0x0;
	v2 =	vld [tilespmem:s7+$0xC380]  }
0x12c: {  	s4 =	simm.s32 $0xB480;
	s0 =	sand.u32 $0x3FFFFE00, s23;
	v3 =	vld [tilespmem:s22+$0x0]  }
0x12d: {  	s24 =	simm.s32 $0xA580;
	v4 =	vld [tilespmem:s4+$0x0];
	s0 =	sadd.s32 $0x3C80, s0  }
0x12e: {  	v5 =	vld [tilespmem:s24+$0x0];
	s5 =	sor.u32 s21, s0;
	v0 =	vand.u32 $0x1F, v0  }
0x12f: {  	v7 =	vld [tilespmem:s5+$0x0];
	v1 =	vand.u32 $0x1F, v1  }
0x130: {  	v8 =	vld [tilespmem:s5+$0x80];
	v2 =	vand.u32 $0x1F, v2  }
0x131: {  	v9 =	vld [tilespmem:s5+$0x100];
	_ =	sdelay $0x1  }
0x132: {  	v0 =	vld.idx.msk [tilespmem:v0+s2+$0x0], $0xffff  }
0x133: {  	v1 =	vld.idx.msk [tilespmem:v1+s2+$0x0], $0xffff  }
0x134: {  	s0 =	sor.u32 s3, s0;
	v4 =	vand.u32 $0x1F, v4;
	v5 =	vand.u32 $0x1F, v5;
	v2 =	vld.idx.msk [tilespmem:v2+s2+$0x0], $0xffff  }
0x135: {  	v6 =	vld [tilespmem:s0+$0x80];
	v3 =	vand.u32 $0x1F, v3;
	vm0 =	vle.f32 v7, v8;
	vm1 =	vle.f32 v8, v9  }
0x136: {  	v10 =	vld [tilespmem:s0+$0x100];
	vm3 =	vle.f32 v7, v9;
	vm2 =	vmneg vm0;
	vm4 =	vmneg vm1  }
0x137: {  	v11 =	vld [tilespmem:s0+$0x0];
	vm5 =	vmor vm0, vm3;
	vm6 =	vmxor vm0, vm1;
	vm4 =	vmand vm0, vm4  }
0x138: {  	vm7 =	vmxor vm0, vm3;
	v12 =	vsel vm6, v1, v0;
	v13 =	vsel vm4, v0, v1  }
0x139: {  	vm1 =	vmand vm1, vm2;
	v4 =	vld.idx.msk [tilespmem:v4+s2+$0x0], $0xffff;
	v12 =	vsel vm7, v2, v12;
	v13 =	vsel vm5, v13, v2  }
0x13a: {  	vm0 =	vmand vm0, vm3;
	v5 =	vld.idx.msk [tilespmem:v5+s2+$0x0], $0xffff;
	v0 =	vsel vm1, v0, v1;
	v1 =	vmul.f32 v13, v12  }
0x13b: {  	vm15 =	vle.f32 v6, v10;
	v0 =	vsel vm0, v2, v0  }
0x13c: {  	vm8 =	vle.f32 v11, v6;
	vm11 =	vle.f32 v11, v10;
	v2 =	vld.idx.msk [tilespmem:v3+s2+$0x0], $0xffff;
	v3 =	vmul.f32 v1, v0  }
0x13d: {  	vm9 =	vmneg vm15;
	vm10 =	vmxor vm8, vm15;
	vm12 =	vmneg vm8  }
0x13e: {  	vm13 =	vmxor vm8, vm11;
	v13 =	vmul.f32 v13, v0;
	v1 =	vsub.f32 v1, v3  }
0x13f: {  	vm14 =	vmor vm8, vm11;
	vm2 =	vmand vm8, vm9;
	v14 =	vsel vm10, v5, v4  }
0x140: {  	v0 =	vmul.f32 v12, v0;
	v12 =	vsub.f32 v13, v3;
	v13 =	vadd.f32 v1, v3  }
0x141: {  	v15 =	vsel vm2, v4, v5;
	vm1 =	vmand vm15, vm12;
	v14 =	vsel vm13, v2, v14  }
0x142: {  	v15 =	vsel vm14, v15, v2;
	v0 =	vsub.f32 v0, v3;
	v13 =	vadd.f32 v13, v12  }
0x143: {  	vm0 =	vmand vm8, vm11;
	v4 =	vsel vm1, v4, v5;
	v16 =	vmul.f32 v15, v14  }
0x144: {  	v2 =	vsel vm0, v2, v4;
	v4 =	vadd.f32 v13, v0  }
0x145: {  	v5 =	vmul.f32 v16, v2  }
0x146: {  	v15 =	vmul.f32 v15, v2;
	v13 =	vsub.f32 $1.000000000e+00, v4  }
0x147: {  	v16 =	vsub.f32 v16, v5;
	v4 =	vadd.f32 $9.999999930e-09, v4  }
0x148: {  	v2 =	vmul.f32 v14, v2;
	v15 =	vsub.f32 v15, v5;
	v14 =	vmul.f32 v13, v13  }
0x149: {  	v17 =	vadd.f32 v16, v5;
	v0 =	vsub.f32 v4, v0  }
0x14a: {  	(erf) = vrcp.f32 v4;
	v12 =	vsub.f32 v4, v12;
	v14 =	vmul.f32 v14, v14  }
0x14b: {  	(erf) = vrcp.f32 v0;
	v0 =	vsub.f32 v2, v5;
	v2 =	vadd.f32 v17, v15  }
0x14c: {  	v1 =	vsub.f32 v4, v1  }
0x14d: {  	(erf) = vrcp.f32 v12;
	v4 =	vmul.f32 v14, v14;
	v2 =	vadd.f32 v2, v0  }
0x14e: {  	v12 =	vmax.f32 v11, v6;
	(erf) = vrcp.f32 v1  }
0x14f: {  	v1 =	vmin.f32 v11, v6;
	v4 =	vmul.f32 v4, v13;
	v6 =	vadd.f32 $9.999999930e-09, v2  }
0x150: {  	v14 =	vmin.f32 v12, v10;
	v11 =	vsub.f32 $1.000000000e+00, v2  }
0x151: {  	v13 =	vmax.f32 v1, v14;
	v4 =	vsub.f32 $1.000000000e+00, v4;
	v14 =	vsub.f32 v6, v0  }
0x152: {  	v17 =	vmul.f32 v11, v11  }
0x153: {  	v0 =	vmin.f32 v1, v10;
	v1 =	vmul.f32 v4, v3;
	v4 =	vsub.f32 v6, v15  }
0x154: {  	v12 =	vmax.f32 v12, v10;
	(erf) = vrcp.f32 v6;
	v3 =	vpop (erf);
	v10 =	vmul.f32 v17, v17  }
0x155: {  	v16 =	vsub.f32 v6, v16;
	(erf) = vrcp.f32 v14;
	v14 =	vpop (erf);
	v3 =	vmul.f32 v1, v3  }
0x156: {  	(erf) = vrcp.f32 v4;
	v14 =	vmul.f32 v1, v14  }
0x157: {  	v10 =	vmul.f32 v10, v10;
	(erf) = vrcp.f32 v16;
	v4 =	vpop (erf)  }
0x158: {  	v17 =	vsub.f32 $1.000000000e+00, v3;
	v14 =	vsub.f32 v14, v3;
	v4 =	vmul.f32 v1, v4  }
0x159: {  	v16 =	vmin.f32 v7, v8;
	v7 =	vmax.f32 v7, v8;
	v10 =	vmul.f32 v10, v11;
	v11 =	vpop (erf)  }
0x15a: {  	s0 =	simm.s32 $0x20;
	v1 =	vmul.f32 v1, v11;
	v4 =	vsub.f32 v4, v3;
	v11 =	vsub.f32 v17, v14  }
0x15b: {  	s30 =	sand.u32 $0x60, s0;
	v8 =	vmin.f32 v7, v9  }
0x15c: {  	s6 =	sand.u32 $0xF80, s0;
	s31 =	sor.u32 $0x10, s30;
	v7 =	vmax.f32 v7, v9;
	v1 =	vsub.f32 v1, v3;
	v11 =	vsub.f32 v11, v4  }
0x15d: {  	s1 =	sor.u32 s6, s31;
	v8 =	vmax.f32 v16, v8;
	v10 =	vsub.f32 $1.000000000e+00, v10;
	v17 =	vmin.f32 v16, v9  }
0x15e: {  	s22 =	simm.s32 $0x80;
	v20 =	vld [tilespmem:s1+$0xA580];
	v9 =	vsub.f32 v11, v1;
	v11 =	vmul.f32 v14, v7;
	v14 =	vmul.f32 v8, v7  }
0x15f: {  	s4 =	sand.u32 $0x3FFFFE00, s22;
	v16 =	vld [tilespmem:s1+$0xB480];
	v18 =	vsub.f32 v8, v17;
	v4 =	vmul.f32 v4, v8;
	v19 =	vmul.f32 v1, v8  }
0x160: {  	s7 =	simm.s32 $0xC3A0;
	s4 =	sadd.s32 $0x3C80, s4;
	v7 =	vsub.f32 v7, v17;
	v9 =	vmul.f32 v9, v14;
	v8 =	vadd.f32 v11, v3;
	v11 =	vld [tilespmem:s1+$0xC380]  }
0x161: {  	s5 =	sor.u32 s31, s4;
	v2 =	vmul.f32 v13, v12;
	v10 =	vmul.f32 v10, v5;
	v26 =	vadd.f32 v4, v4;
	v3 =	vpop (erf);
	v14 =	vld [tilespmem:s7+$0x0]  }
0x162: {  	s1 =	simm.s32 $0xB4A0;
	v7 =	vmul.f32 v4, v7;
	v4 =	vld [tilespmem:s5+$0x100];
	v21 =	vpop (erf);
	v18 =	vmul.f32 v8, v18;
	v19 =	vadd.f32 v9, v19  }
0x163: {  	s28 =	simm.s32 $0xA5A0;
	v5 =	vsub.f32 $1.000000000e+00, v17;
	v22 =	vld [tilespmem:s1+$0x0];
	v23 =	vmul.f32 v10, v3;
	v3 =	vmul.f32 v10, v21  }
0x164: {  	v15 =	vsub.f32 v13, v0;
	v16 =	vand.u32 $0x1F, v16;
	v21 =	vld [tilespmem:s28+$0x0];
	v7 =	vadd.f32 v18, v7  }
0x165: {  	v5 =	vmul.f32 v19, v5;
	v18 =	vand.u32 $0x1F, v20;
	v20 =	vsub.f32 v3, v23;
	v3 =	vld [tilespmem:s5+$0x0]  }
0x166: {  	v6 =	vsub.f32 v12, v0;
	v24 =	vsub.f32 $1.000000000e+00, v23;
	v11 =	vand.u32 $0x1F, v11;
	v19 =	vpop (erf)  }
0x167: {  	v14 =	vand.u32 $0x1F, v14;
	v27 =	vadd.f32 v5, v7;
	v5 =	vld [tilespmem:s5+$0x80];
	v12 =	vmul.f32 v20, v12;
	v25 =	vpop (erf)  }
0x168: {  	v19 =	vmul.f32 v10, v19;
	v7 =	vmul.f32 v10, v25;
	v10 =	vsub.f32 v24, v20  }
0x169: {  	v16 =	vld.idx.msk [tilespmem:v16+s2+$0x0], $0xffff;
	v22 =	vand.u32 $0x1F, v22;
	v20 =	vadd.f32 v26, v8;
	v8 =	vadd.f32 v12, v23  }
0x16a: {  	v21 =	vand.u32 $0x1F, v21;
	v19 =	vsub.f32 v19, v23;
	v18 =	vld.idx.msk [tilespmem:v18+s2+$0x0], $0xffff;
	vm10 =	vle.f32 v3, v4  }
0x16b: {  	s4 =	sor.u32 s30, s4;
	v24 =	vsub.f32 v7, v23;
	v23 =	vld.idx.msk [tilespmem:v11+s2+$0x0], $0xffff;
	v9 =	vadd.f32 v9, v20;
	v7 =	vmul.f32 v8, v15  }
0x16c: {  	v20 =	vld [tilespmem:s4+$0x80];
	v10 =	vsub.f32 v10, v19;
	v19 =	vmul.f32 v19, v13;
	vm0 =	vle.f32 v3, v5  }
0x16d: {  	v15 =	vld [tilespmem:s4+$0x100];
	vm15 =	vle.f32 v5, v4;
	v11 =	vmul.f32 v24, v13;
	vm9 =	vmneg vm0  }
0x16e: {  	vm11 =	vmneg vm15;
	vm12 =	vmor vm0, vm10;
	vm13 =	vmxor vm0, vm15  }
0x16f: {  	vm14 =	vmxor vm0, vm10;
	v12 =	vsub.f32 v10, v24;
	v24 =	vld [tilespmem:s4+$0x0];
	vm4 =	vmand vm0, vm11  }
0x170: {  	vm1 =	vmand vm15, vm9;
	v10 =	vsel vm13, v18, v16;
	v13 =	vsel vm4, v16, v18  }
0x171: {  	vm0 =	vmand vm0, vm10;
	v10 =	vsel vm14, v23, v10;
	v13 =	vsel vm12, v13, v23  }
0x172: {  	v22 =	vld.idx.msk [tilespmem:v22+s2+$0x0], $0xffff;
	v16 =	vsel vm1, v16, v18;
	vm8 =	vle.f32 v20, v15;
	v18 =	vmul.f32 v13, v10  }
0x173: {  	v9 =	vmul.f32 v9, v17;
	v21 =	vld.idx.msk [tilespmem:v21+s2+$0x0], $0xffff;
	v23 =	vsel vm0, v23, v16;
	vm9 =	vmneg vm8  }
0x174: {  	v13 =	vmul.f32 v13, v23;
	vm15 =	vle.f32 v24, v20;
	v17 =	vmul.f32 v18, v23  }
0x175: {  	v14 =	vld.idx.msk [tilespmem:v14+s2+$0x0], $0xffff;
	vm11 =	vle.f32 v24, v15;
	v23 =	vmul.f32 v10, v23;
	v10 =	vmul.f32 v19, v6  }
0x176: {  	vm10 =	vmxor vm15, vm8;
	vm0 =	vmand vm15, vm9;
	vm12 =	vmneg vm15  }
0x177: {  	vm13 =	vmor vm15, vm11;
	vm14 =	vmxor vm15, vm11;
	v16 =	vsub.f32 v18, v17  }
0x178: {  	vm15 =	vmand vm15, vm11;
	v25 =	vsel vm10, v21, v22;
	v26 =	vsel vm0, v22, v21  }
0x179: {  	vm0 =	vmand vm8, vm12;
	v18 =	vsub.f32 v13, v17;
	v28 =	vadd.f32 v16, v17  }
0x17a: {  	v13 =	vadd.f32 v19, v19;
	v29 =	vsub.f32 v23, v17;
	v25 =	vsel vm14, v14, v25  }
0x17b: {  	v6 =	vsel vm13, v26, v14;
	v21 =	vsel vm0, v22, v21;
	v19 =	vadd.f32 v28, v18  }
0x17c: {  	s23 =	simm.s32 $0x0;
	v1 =	vsub.f32 $1.000000000e+00, v0;
	v26 =	vmul.f32 v6, v25;
	v21 =	vsel vm15, v14, v21  }
0x17d: {  	s4 =	sand.u32 $0x3FFFFF00, s23;
	v31 =	vmul.f32 v6, v21;
	v28 =	vmax.f32 v24, v20;
	v30 =	vadd.f32 v19, v29  }
0x17e: {  	s4 =	sadd.s32 $0xD280, s4;
	v25 =	vmul.f32 v25, v21;
	v14 =	vmul.f32 v26, v21;
	v22 =	vmin.f32 v28, v15  }
0x17f: {  	s24 =	sor.u32 s21, s4;
	v19 =	vmin.f32 v24, v20;
	v23 =	vsub.f32 $1.000000000e+00, v30;
	v24 =	vadd.f32 $9.999999930e-09, v30  }
0x180: {  	[tilespmem:s24+$0x0] =	vst v9;
	v9 =	vmax.f32 v28, v15;
	v20 =	vsub.f32 v26, v14;
	v6 =	vmax.f32 v19, v22  }
0x181: {  	[tilespmem:s24+$0x80] =	vst v27;
	v22 =	vsub.f32 v25, v14;
	v25 =	vsub.f32 v24, v29;
	v27 =	vmul.f32 v23, v23  }
0x182: {  	s21 =	sor.u32 s3, s4;
	s4 =	simm.s32 $0xC3C0;
	s3 =	simm.s32 $0x20;
	v21 =	vsub.f32 v31, v14;
	v26 =	vadd.f32 v20, v14;
	(erf) = vrcp.f32 v24  }
.LBB2_4:
0x183: {  	v28 =	vld [tilespmem:s4+$0x0];
	v29 =	vsub.f32 v24, v18;
	v27 =	vmul.f32 v27, v27;
	s1 =	sadd.s32 $0x20, s1;
	(erf) = vrcp.f32 v25  }
0x184: {  	v18 =	vmin.f32 v19, v15;
	v25 =	vld [tilespmem:s1+$0x0];
	v15 =	vadd.f32 v26, v21;
	v26 =	vmul.f32 v6, v9  }
0x185: {  	v16 =	vsub.f32 v24, v16;
	v24 =	vmul.f32 v27, v27;
	(erf) = vrcp.f32 v29  }
0x186: {  	v12 =	vmul.f32 v12, v2;
	v19 =	vsub.f32 v6, v18;
	v27 =	vadd.f32 v15, v22;
	v2 =	vmovc v26  }
0x187: {  	v15 =	vsub.f32 v9, v18;
	v23 =	vmul.f32 v24, v23;
	(erf) = vrcp.f32 v16  }
0x188: {  	v16 =	vand.u32 $0x1F, v28;
	v24 =	vsub.f32 $1.000000000e+00, v27;
	v26 =	vadd.f32 $9.999999930e-09, v27  }
0x189: {  	v11 =	vadd.f32 v12, v11;
	v25 =	vand.u32 $0x1F, v25;
	v28 =	vsub.f32 $1.000000000e+00, v23  }
0x18a: {  	v29 =	vsub.f32 v26, v22;
	v21 =	vsub.f32 v26, v21;
	v27 =	vmul.f32 v24, v24  }
0x18b: {  	v20 =	vsub.f32 v26, v20;
	v17 =	vmul.f32 v28, v17;
	(erf) = vrcp.f32 v26;
	v23 =	vpop (erf)  }
0x18c: {  	v8 =	vadd.f32 v13, v8;
	v26 =	vmul.f32 v27, v27;
	(erf) = vrcp.f32 v29;
	v22 =	vpop (erf)  }
0x18d: {  	v13 =	vsub.f32 $1.000000000e+00, v18;
	v23 =	vmul.f32 v17, v23;
	v22 =	vmul.f32 v17, v22  }
0x18e: {  	v8 =	vadd.f32 v12, v8;
	v26 =	vmul.f32 v26, v26;
	(erf) = vrcp.f32 v21;
	v21 =	vpop (erf)  }
0x18f: {  	v12 =	vsub.f32 v22, v23;
	v21 =	vmul.f32 v17, v21;
	v22 =	vsub.f32 $1.000000000e+00, v23  }
0x190: {  	v10 =	vadd.f32 v7, v10;
	v24 =	vmul.f32 v26, v24;
	(erf) = vrcp.f32 v20;
	v20 =	vpop (erf)  }
0x191: {  	v7 =	vsub.f32 v21, v23;
	v17 =	vmul.f32 v17, v20;
	v20 =	vsub.f32 v22, v12  }
0x192: {  	s0 =	sadd.s32 $0x20, s0;
	v22 =	vmin.f32 v3, v5;
	v3 =	vmax.f32 v3, v5;
	v21 =	vsub.f32 $1.000000000e+00, v24  }
0x193: {  	s5 =	sand.u32 $0x60, s0;
	p1 =	slt.u32 s0, $0xEE0;
	v27 =	vmin.f32 v3, v4;
	v17 =	vsub.f32 v17, v23;
	v20 =	vsub.f32 v20, v7  }
0x194: {  	s6 =	sand.u32 $0xF80, s0;
	s22 =	sor.u32 $0x10, s5;
	v24 =	vmin.f32 v22, v4;
	v3 =	vmax.f32 v3, v4;
	v4 =	vmax.f32 v22, v27;
	v5 =	vpop (erf)  }
0x195: {  	s6 =	sor.u32 s6, s22;
	v12 =	vmul.f32 v12, v3;
	v22 =	vmul.f32 v4, v3;
	v30 =	vsub.f32 v20, v17;
	v26 =	vpop (erf)  }
0x196: {  	v28 =	vsub.f32 v4, v24;
	v3 =	vsub.f32 v3, v24;
	v31 =	vmul.f32 v17, v4;
	v27 =	vld [tilespmem:s6+$0xB480]  }
0x197: {  	v4 =	vmul.f32 v7, v4;
	v12 =	vadd.f32 v12, v23;
	v29 =	vld [tilespmem:s6+$0xA580];
	v7 =	vmul.f32 v30, v22;
	v20 =	vpop (erf)  }
0x198: {  	v14 =	vmul.f32 v21, v14;
	v21 =	vsub.f32 $1.000000000e+00, v24;
	v23 =	vmul.f32 v11, v1;
	v1 =	vmovc v13;
	v22 =	vld [tilespmem:s6+$0xC380]  }
0x199: {  	v11 =	vmul.f32 v12, v28;
	v3 =	vmul.f32 v4, v3;
	s6 =	sshll.u32 s0, $0x2;
	v13 =	vadd.f32 v7, v31;
	v17 =	vpop (erf)  }
0x19a: {  	s28 =	sadd.s32 $0x20, s28;
	v28 =	vmul.f32 v14, v5;
	v5 =	vmul.f32 v14, v26;
	v26 =	vadd.f32 v4, v4;
	s6 =	sand.u32 $0x3FFFFE00, s6  }
0x19b: {  	s7 =	sshll.u32 s3, $0x1;
	s3 =	smov.u32 s0;
	v4 =	vadd.f32 v11, v3;
	s6 =	sadd.s32 $0x3C80, s6;
	v30 =	vld [tilespmem:s28+$0x0];
	v27 =	vand.u32 $0x1F, v27;
	v11 =	vmul.f32 v13, v21  }
0x19c: {  	s7 =	sand.u32 $0x3FFFFF00, s7;
	s23 =	sor.u32 s5, s6;
	s6 =	sor.u32 s22, s6;
	v21 =	vld.idx.msk [tilespmem:v25+s2+$0x0], $0xffff;
	v13 =	vand.u32 $0x1F, v29;
	v25 =	vsub.f32 v5, v28;
	v29 =	vsub.f32 $1.000000000e+00, v28  }
0x19d: {  	s7 =	sadd.s32 $0xD280, s7;
	v20 =	vmul.f32 v14, v20;
	v3 =	vld [tilespmem:s6+$0x0];
	v22 =	vand.u32 $0x1F, v22;
	v11 =	vadd.f32 v11, v4  }
0x19e: {  	s24 =	sor.u32 s30, s7;
	s7 =	sor.u32 s31, s7;
	s30 =	smov.u32 s5;
	v14 =	vmul.f32 v14, v17;
	v5 =	vld [tilespmem:s6+$0x80];
	v17 =	vsub.f32 v29, v25;
	v9 =	vmul.f32 v25, v9  }
0x19f: {  	s31 =	smov.u32 s22;
	v12 =	vadd.f32 v26, v12;
	v20 =	vsub.f32 v20, v28;
	v25 =	vmul.f32 v8, v0;
	v4 =	vld [tilespmem:s6+$0x100];
	[tilespmem:s7+$0x80] =	vst v11  }
0x1a0: {  	v14 =	vsub.f32 v14, v28;
	v0 =	vmovc v18;
	v26 =	vand.u32 $0x1F, v30;
	v27 =	vld.idx.msk [tilespmem:v27+s2+$0x0], $0xffff;
	v8 =	vadd.f32 v9, v28  }
0x1a1: {  	v18 =	vadd.f32 v7, v12;
	v9 =	vld.idx.msk [tilespmem:v13+s2+$0x0], $0xffff;
	v13 =	vsub.f32 v17, v20;
	v17 =	vmul.f32 v20, v6  }
0x1a2: {  	v11 =	vmul.f32 v14, v6;
	v6 =	vadd.f32 v23, v10;
	v20 =	vld.idx.msk [tilespmem:v22+s2+$0x0], $0xffff;
	v7 =	vmul.f32 v8, v19  }
0x1a3: {  	v19 =	vld [tilespmem:s23+$0x80];
	v12 =	vsub.f32 v13, v14;
	v13 =	vadd.f32 v17, v17;
	v10 =	vmul.f32 v17, v15;
	[tilespmem:s21+$0x0] =	vst v25  }
0x1a4: {  	vm0 =	vle.f32 v3, v5;
	v14 =	vmul.f32 v18, v24;
	v15 =	vld [tilespmem:s23+$0x100];
	vm1 =	vle.f32 v5, v4;
	[tilespmem:s21+$0x80] =	vst v6;
	s21 =	smov.u32 s24  }
0x1a5: {  	vm2 =	vmneg vm0;
	vm3 =	vle.f32 v3, v4;
	v6 =	vld [tilespmem:s23+$0x0];
	vm4 =	vmneg vm1  }
0x1a6: {  	vm5 =	vmor vm0, vm3;
	vm6 =	vmxor vm0, vm1;
	v22 =	vld.idx.msk [tilespmem:v26+s2+$0x0], $0xffff;
	vm4 =	vmand vm0, vm4;
	[tilespmem:s7+$0x0] =	vst v14  }
0x1a7: {  	vm7 =	vmxor vm0, vm3;
	v14 =	vsel vm6, v9, v27;
	v17 =	vsel vm4, v27, v9  }
0x1a8: {  	vm1 =	vmand vm1, vm2;
	v14 =	vsel vm7, v20, v14;
	v18 =	vsel vm5, v17, v20  }
0x1a9: {  	vm2 =	vmand vm0, vm3;
	v9 =	vsel vm1, v27, v9;
	v23 =	vmul.f32 v18, v14  }
0x1aa: {  	v9 =	vsel vm2, v20, v9;
	vm1 =	vle.f32 v19, v15;
	v24 =	vld.idx.msk [tilespmem:v16+s2+$0x0], $0xffff;
	vm0 =	vle.f32 v6, v19  }
0x1ab: {  	vm2 =	vmneg vm1;
	vm3 =	vmxor vm0, vm1;
	v17 =	vmul.f32 v23, v9  }
0x1ac: {  	vm4 =	vle.f32 v6, v15;
	vm2 =	vmand vm0, vm2;
	v20 =	vsel vm3, v22, v21  }
0x1ad: {  	v18 =	vmul.f32 v18, v9;
	v25 =	vsel vm2, v21, v22;
	v16 =	vsub.f32 v23, v17  }
0x1ae: {  	vm5 =	vmxor vm0, vm4;
	vm2 =	vmneg vm0;
	vm3 =	vmor vm0, vm4  }
0x1af: {  	v9 =	vmul.f32 v14, v9;
	v18 =	vsub.f32 v18, v17;
	v14 =	vadd.f32 v16, v17  }
0x1b0: {  	vm1 =	vmand vm1, vm2;
	v20 =	vsel vm5, v24, v20;
	v23 =	vsel vm3, v25, v24  }
0x1b1: {  	v9 =	vsub.f32 v9, v17;
	v25 =	vmul.f32 v23, v20;
	v14 =	vadd.f32 v14, v18  }
0x1b2: {  	v26 =	vmax.f32 v6, v19;
	vm0 =	vmand vm0, vm4;
	v21 =	vsel vm1, v21, v22  }
0x1b3: {  	v22 =	vmin.f32 v26, v15;
	v21 =	vsel vm0, v24, v21;
	v24 =	vadd.f32 v14, v9  }
.Ltmp1:
0x1b4: {  	v19 =	vmin.f32 v6, v19;
	v27 =	vmul.f32 v23, v21;
	v14 =	vmul.f32 v25, v21;
	(pc) =	sbr.rel @p1 .LBB2_4-.Ltmp1, $4  }
0x1b5: {  	v28 =	vmul.f32 v20, v21;
	v23 =	vsub.f32 $1.000000000e+00, v24;
	v24 =	vadd.f32 $9.999999930e-09, v24  }
0x1b6: {  	v6 =	vmax.f32 v19, v22;
	v20 =	vsub.f32 v25, v14;
	v21 =	vsub.f32 v27, v14  }
0x1b7: {  	v22 =	vsub.f32 v28, v14;
	v25 =	vsub.f32 v24, v9;
	v27 =	vmul.f32 v23, v23  }
0x1b8: {  	s4 =	sadd.s32 $0x20, s4;
	v9 =	vmax.f32 v26, v15;
	v26 =	vadd.f32 v20, v14;
	(erf) = vrcp.f32 v24  }
0x1b9: {  	v18 =	vsub.f32 v24, v18  }
0x1ba: {  	v27 =	vmul.f32 v27, v27;
	(erf) = vrcp.f32 v25;
	v16 =	vsub.f32 v24, v16  }
0x1bb: {  	v15 =	vmin.f32 v19, v15;
	v2 =	vmul.f32 v12, v2;
	v49 =	vadd.f32 v26, v21  }
0x1bc: {  	v8 =	vadd.f32 v13, v8;
	v7 =	vadd.f32 v7, v10;
	v32 =	vmin.f32 v3, v5  }
0x1bd: {  	v33 =	vmax.f32 v3, v5;
	v19 =	vsub.f32 v6, v15;
	v51 =	vadd.f32 v49, v22  }
0x1be: {  	v61 =	vsub.f32 $1.000000000e+00, v15;
	v50 =	vmul.f32 v27, v27;
	(erf) = vrcp.f32 v18  }
0x1bf: {  	v36 =	vmin.f32 v33, v4;
	v52 =	vsub.f32 $1.000000000e+00, v51;
	v53 =	vadd.f32 $9.999999930e-09, v51  }
0x1c0: {  	v37 =	vmin.f32 v32, v4;
	(erf) = vrcp.f32 v16;
	v23 =	vmul.f32 v50, v23  }
0x1c1: {  	v3 =	vmax.f32 v33, v4;
	v54 =	vsub.f32 v53, v22;
	v55 =	vmul.f32 v52, v52  }
0x1c2: {  	v18 =	vsub.f32 v9, v15;
	v23 =	vsub.f32 $1.000000000e+00, v23;
	(erf) = vrcp.f32 v53  }
0x1c3: {  	v56 =	vsub.f32 v53, v21;
	v57 =	vpop (erf);
	v58 =	vmul.f32 v55, v55;
	(erf) = vrcp.f32 v54  }
0x1c4: {  	v11 =	vadd.f32 v2, v11;
	v2 =	vadd.f32 v2, v8;
	v17 =	vmul.f32 v23, v17  }
0x1c5: {  	v16 =	vsub.f32 v53, v20;
	v59 =	vpop (erf);
	(erf) = vrcp.f32 v56;
	v20 =	vmul.f32 v58, v58  }
0x1c6: {  	v38 =	vmax.f32 v32, v36;
	v60 =	vmul.f32 v17, v57;
	v22 =	vmul.f32 v17, v59  }
0x1c7: {  	v46 =	vsub.f32 $1.000000000e+00, v37;
	v62 =	vpop (erf);
	(erf) = vrcp.f32 v16;
	v28 =	vmul.f32 v20, v52  }
0x1c8: {  	v42 =	vsub.f32 v38, v37;
	v1 =	vmul.f32 v11, v1;
	v22 =	vsub.f32 v22, v60  }
0x1c9: {  	v21 =	vmul.f32 v17, v62;
	v63 =	vsub.f32 $1.000000000e+00, v60;
	v29 =	vpop (erf);
	v8 =	vsub.f32 $1.000000000e+00, v28  }
0x1ca: {  	v1 =	vadd.f32 v1, v7;
	v12 =	vmul.f32 v17, v29;
	v17 =	vmul.f32 v38, v3  }
0x1cb: {  	v30 =	vsub.f32 v21, v60;
	v31 =	vsub.f32 v63, v22;
	v39 =	vpop (erf);
	v8 =	vmul.f32 v8, v14  }
0x1cc: {  	v40 =	vmul.f32 v22, v3;
	v3 =	vsub.f32 v3, v37;
	v34 =	vsub.f32 v12, v60;
	v41 =	vpop (erf)  }
0x1cd: {  	v35 =	vsub.f32 v31, v30;
	v10 =	vmul.f32 v8, v39;
	v21 =	vmul.f32 v8, v41  }
0x1ce: {  	v4 =	vmul.f32 v30, v38;
	v13 =	vadd.f32 v40, v60;
	v5 =	vmul.f32 v34, v38;
	v43 =	vpop (erf)  }
0x1cf: {  	v14 =	vmul.f32 v8, v43;
	v44 =	vsub.f32 v21, v10;
	v45 =	vsub.f32 $1.000000000e+00, v10  }
0x1d0: {  	v12 =	vsub.f32 v35, v34;
	v22 =	vmul.f32 v13, v42;
	v3 =	vmul.f32 v4, v3;
	v47 =	vpop (erf)  }
0x1d1: {  	v8 =	vmul.f32 v8, v47;
	v14 =	vsub.f32 v14, v10;
	v21 =	vsub.f32 v45, v44  }
0x1d2: {  	v4 =	vadd.f32 v4, v4;
	v12 =	vmul.f32 v12, v17;
	v3 =	vadd.f32 v22, v3  }
0x1d3: {  	v8 =	vsub.f32 v8, v10;
	v21 =	vsub.f32 v21, v14  }
0x1d4: {  	v5 =	vadd.f32 v12, v5;
	v49 =	vmul.f32 v44, v9;
	v14 =	vmul.f32 v14, v6  }
0x1d5: {  	v48 =	vmul.f32 v6, v9;
	v4 =	vadd.f32 v4, v13;
	v50 =	vsub.f32 v21, v8  }
0x1d6: {  	v5 =	vmul.f32 v5, v46;
	v9 =	vadd.f32 v49, v10;
	v51 =	vadd.f32 v14, v14  }
0x1d7: {  	v54 =	vadd.f32 v12, v4;
	v52 =	vmul.f32 v8, v6;
	v53 =	vmul.f32 v50, v48  }
0x1d8: {  	s0 =	sshll.u32 s3, $0x1;
	v0 =	vmul.f32 v2, v0;
	v3 =	vadd.f32 v5, v3;
	v55 =	vadd.f32 v51, v9  }
0x1d9: {  	s0 =	sand.u32 $0x3FFFFF00, s0;
	v56 =	vmul.f32 v9, v19;
	v57 =	vmul.f32 v14, v18;
	v5 =	vadd.f32 v53, v52  }
0x1da: {  	s0 =	sadd.s32 $0xD280, s0;
	[tilespmem:s21+$0x0] =	vst v0;
	v59 =	vmul.f32 v54, v37;
	v58 =	vadd.f32 v53, v55  }
0x1db: {  	s1 =	sor.u32 s31, s0;
	[tilespmem:s21+$0x80] =	vst v1;
	v60 =	vadd.f32 v56, v57;
	v61 =	vmul.f32 v5, v61  }
0x1dc: {  	[tilespmem:s1+$0x0] =	vst v59;
	v62 =	vmul.f32 v58, v15  }
0x1dd: {  	s0 =	sor.u32 s30, s0;
	[tilespmem:s1+$0x80] =	vst v3;
	v63 =	vadd.f32 v61, v60  }
0x1de: {  	[tilespmem:s0+$0x0] =	vst v62  }
0x1df: {  	s1 =	simm.s32 @p0 $0xD280;
	[tilespmem:s0+$0x80] =	vst v63;
	s0 =	simm.s32 @p0 $0x0  }
0x1e0: {  	[hbm4b:s19+s0] =	stream.linear.scatter @p0 [tilespmem:s1], [sflag:$0x3], $0x300, $0x38;
	[tilespmem:$0xF080] =	vst v63  }
0x1e1: {  	s0 =	simm.s32 @p0 $0x3  }
0x1e2: {  	s29 =	sadd.s32 $0x1, s29;
	_ =	swait.ge @p0 [sflag:s0], $0x300  }
0x1e3: {  	p1 =	sne.s32 s29, s20;
	[sflag:s0] =	ssyncset.done @p0 $0x0  }
0x1e4: {  	s1 =	simm.s32 @!p0 $0xD280;
	[sflag:s0] =	ssyncadd.s32 @p0 $0xFFFFFD00;
	s0 =	simm.s32 @!p0 $0x0  }
0x1e5: {  	[hbm4b:s18+s0] =	stream.linear.scatter @!p0 [tilespmem:s1], [sflag:$0x3], $0x1E00, $0x38;
	[tilespmem:$0xF080] =	vst v63  }
.Ltmp2:
0x1e6: {  	_ = 	snop;
	(pc) =	sbr.rel @p1 .LBB2_1-.Ltmp2, $4  }
0x1e7: {  	s0 =	simm.s32 @!p0 $0x3  }
0x1e8: {  	_ =	swait.ge @!p0 [sflag:s0], $0x1E00  }
0x1e9: {  	[sflag:s0] =	ssyncset.done @!p0 $0x0  }
0x1ea: {  	[sflag:s0] =	ssyncadd.s32 @!p0 $0xFFFFE200  }
0x1eb: {  	_ =	sfence.sel $0x180000  }
0x1ec: {  	[bflag:$0x0] =	sbarrier.arrive $0xFFFF  }
0x1ed: {  	_ =	strace $0x90000047  }
0x1ee: {  	s0 =	stileid.u32;
	[bflag:$0x2] =	sbarrier.arrive $0xFFFF  }
0x1ef: {  	p0 =	sne.s32 s0, $0x0;
	s0 =	rddreg [dreg:$0x6]  }
0x1f0: {  	s0 =	sadd.s32 @!p0 $0x100000, s0  }
0x1f1: {  	[sflag:s0] =	ssyncadd.tile.s32 @!p0 $0x1;
	_ =	shalt  }
.Lfunc_end2:
_tile_overlayer_lowered:
.L_overlay_start_2:
0x1f2: {  	(tag) =	ssettag $0x2  }
0x1f3: {  	s0 =	rddreg [dreg:$0x0];
	s2 =	stileid.u32  }
0x1f4: {  	s1 =	rddreg [dreg:$0x1];
	p0 =	sne.s32 s2, $0x0  }
0x1f5: {  	s3 =	rddreg [dreg:$0x2];
	[bflag:$0x3] =	sbarrier.arrive $0xFFFF;
	s2 =	simm.s32 @!p0 $0x1C03  }
0x1f6: {  	[timem:s3], [sflag:s2] =	dma.local @!p0 [hbm:s0], s1  }
0x1f7: {  	s0 =	simm.s32 @!p0 $0x3  }
0x1f8: {  	_ =	swait.ge @!p0 [sflag:s0], s1  }
0x1f9: {  	s1 =	ssub.s32 @!p0 $0x0, s1;
	[sflag:s0] =	ssyncset.done @!p0 $0x0  }
0x1fa: {  	[sflag:s0] =	ssyncadd.s32 @!p0 s1  }
0x1fb: {  	[bflag:$0x3] =	sbarrier.arrive $0xFFFF  }
0x1fc: {  	_ =	shalt  }

</sc_bundles>
